<compile_context>
chip_gen: v7x
topology: tpu7x:2x2x1
jax: 0.10.2.dev20260603
libtpu: 0.0.44.dev20260713+nightly
codegen_flags: <defaults>
</compile_context>

<pallas_src>
import functools
import jax
import jax.numpy as jnp
from jax import lax
from jax.experimental import pallas as pl
from jax.experimental.pallas import tpu as pltpu
from jax.experimental.pallas import tpu_sc as plsc

D = 128
B_ROWS, T_COLS = 4096, 200
B_TOTAL = B_ROWS * T_COLS
NC, NS = 2, 16
NW = NC * NS
R_PER_W = B_ROWS // NW
B_PER_W = R_PER_W * T_COLS
G = R_PER_W
SPLITS = ((0, 128), (128, 72))
NB = 3
PE_ROWS = 367


@jax.jit
def _sc_gather(doy, pe):
    mesh = plsc.VectorSubcoreMesh(core_axis_name="c", subcore_axis_name="s")

    @functools.partial(
        pl.kernel,
        out_type=jax.ShapeDtypeStruct((B_TOTAL, D), jnp.float32),
        mesh=mesh,
        compiler_params=pltpu.CompilerParams(use_tc_tiling_on_sc=True),
        scratch_types=[
            pltpu.VMEM((R_PER_W, T_COLS), jnp.int32),
            pltpu.VMEM((NB, T_COLS, D), jnp.float32),
            pltpu.VMEM_SHARED((PE_ROWS, D), jnp.float32),
            pltpu.SemaphoreType.DMA,
            pltpu.SemaphoreType.DMA,
        ],
    )
    def k(doy_hbm, pe_hbm, out_hbm, idx_v, rows_v, pe_spm, gsem, ssem):
        sid = lax.axis_index("s")
        wid = sid * NC + lax.axis_index("c")
        base = wid * B_PER_W

        @pl.when(sid == 0)
        def _():
            pltpu.sync_copy(pe_hbm, pe_spm)

        pltpu.sync_copy(doy_hbm.at[pl.ds(wid * R_PER_W, R_PER_W)], idx_v)
        plsc.subcore_barrier()

        def start_gathers(g, b):
            for off, n in SPLITS:
                pltpu.async_copy(pe_spm.at[idx_v.at[g].at[pl.ds(off, n)]],
                                 rows_v.at[b].at[pl.ds(off, n)], gsem)

        def wait_gathers(g, b):
            for off, n in SPLITS:
                pltpu.make_async_copy(pe_spm.at[idx_v.at[g].at[pl.ds(off, n)]],
                                      rows_v.at[b].at[pl.ds(off, n)], gsem).wait()

        def start_scatter(g, b):
            pltpu.async_copy(rows_v.at[b],
                             out_hbm.at[pl.ds(base + g * T_COLS, T_COLS)], ssem)

        def wait_one_scatter():
            pltpu.make_async_copy(rows_v.at[0],
                                  out_hbm.at[pl.ds(base, T_COLS)], ssem).wait()

        for b in range(NB):
            start_gathers(b, b)
        for g in range(NB - 1):
            wait_gathers(g, g)
            start_scatter(g, g)

        def body(o, _):
            for j in range(NB):
                g = (NB - 1) + o * NB + j
                buf = (NB - 1 + j) % NB
                wait_gathers(g, buf)
                start_scatter(g, buf)
                wait_one_scatter()
                start_gathers(g + 1, (buf + 1) % NB)
            return ()

        n_main = (G - NB) // NB * NB
        lax.fori_loop(0, n_main // NB, body, (), unroll=False)

        for g in range(NB - 1 + n_main, G - 1):
            wait_gathers(g, g % NB)
            start_scatter(g, g % NB)
            wait_one_scatter()
            start_gathers(g + 1, (g + 1) % NB)

        wait_gathers(G - 1, (G - 1) % NB)
        start_scatter(G - 1, (G - 1) % NB)
        for _ in range(NB):
            wait_one_scatter()

    return k(doy, pe)


def kernel(doy, pe):
    out = _sc_gather(doy.astype(jnp.int32), pe)
    return out.reshape(B_ROWS, T_COLS, D)

# --- scband reference (transcript-rebuilt; emitter-appended) ---
"""Pipeline reference for scband-positional-encoding-57526791962882 (READ-ONLY COPY).

The authoritative reference and input builder live on the scoring server;
editing this copy changes nothing except your own understanding.
"""

import math
import jax, jax.numpy as jnp
import numpy as np

D_MODEL = 128
MAX_LEN = 366

def _build_pe(d_model, max_len):
    pe = np.zeros((max_len + 1, d_model), dtype=np.float32)
    position = np.arange(0, max_len, dtype=np.float32)[:, None]
    div_term = np.exp(np.arange(0, d_model, 2, dtype=np.float32) * -(math.log(10000.0) / d_model))
    pe[1:, 0::2] = np.sin(position * div_term)
    pe[1:, 1::2] = np.cos(position * div_term)
    return jnp.asarray(pe)

def setup_inputs(seed: int = 0) -> dict:
    key = jax.random.key(seed)
    k_doy, _ = jax.random.split(key)
    doy = jax.random.randint(k_doy, (4096, 200), 0, MAX_LEN + 1, dtype=jnp.int64 if jax.config.jax_enable_x64 else jnp.int32)
    pe = _build_pe(D_MODEL, MAX_LEN)
    return {"doy": doy, "pe": pe}

def reference(doy, pe):
    # Faithful translation of PositionalEncoding.forward: pe[doy, :]
    return jnp.take(pe, doy, axis=0)

if __name__ == "__main__":
    import jax
    _d = setup_inputs()
    print(jax.jit(kernel)(*tuple(_d.values())))

</pallas_src>

<mosaic_0001>
#map = affine_map<(d0, d1) -> (0, 0)>
module attributes {stable_mosaic.version = 14 : i64} {
  func.func @k(%arg0: i32, %arg1: i32, %arg2: memref<4096x200xi32, #tpu.memory_space<hbm>>, %arg3: memref<367x128xf32, #tpu.memory_space<hbm>>, %arg4: memref<819200x128xf32, #tpu.memory_space<hbm>>, %arg5: memref<128x200xi32, #tpu.memory_space<vmem>>, %arg6: memref<3x200x128xf32, #tpu.memory_space<vmem>>, %arg7: memref<367x128xf32, #tpu.memory_space<vmem_shared>>, %arg8: memref<!tpu.dma_semaphore, #tpu.memory_space<semaphore_mem>>, %arg9: memref<!tpu.dma_semaphore, #tpu.memory_space<semaphore_mem>>) attributes {dimension_semantics = [#tpu.dimension_semantics<core_parallel>, #tpu.dimension_semantics<subcore_parallel>], iteration_bounds = array<i64: 2, 16>, scalar_prefetch = 0 : i64, scratch_operands = 5 : i64, tpu.core_type = #tpu.core_type<sc_vector_subcore>, window_params = [{transform_indices = #map}, {transform_indices = #map}, {transform_indices = #map}]} {
    %mul3A = arith.constant 2 : i32
    %mul3A_0 = arith.muli %arg1, %mul3A : i32
    %add3A = arith.addi %mul3A_0, %arg0 : i32
    %mul3A_1 = arith.constant 25600 : i32
    %mul3A_2 = arith.muli %add3A, %mul3A_1 : i32
    %eq3A = arith.constant 0 : i32
    %eq3A_3 = arith.cmpi eq, %arg1, %eq3A : i32
    %convert_element_type3A = arith.extui %eq3A_3 : i1 to i32
    %cond3A = arith.constant 0 : i32
    %cond3A_4 = arith.cmpi ne, %convert_element_type3A, %cond3A : i32
    scf.if %cond3A_4 {
      "tpu.region"() ({
        %run_scoped3A = tpu.sem_alloc : memref<!tpu.dma_semaphore, #tpu.memory_space<semaphore_mem>>
        tpu.enqueue_dma source(%arg3 : memref<367x128xf32, #tpu.memory_space<hbm>>) target(%arg7 : memref<367x128xf32, #tpu.memory_space<vmem_shared>>) target_semaphore(%run_scoped3A : memref<!tpu.dma_semaphore, #tpu.memory_space<semaphore_mem>>)
        tpu.wait_dma2 semaphore(%run_scoped3A : memref<!tpu.dma_semaphore, #tpu.memory_space<semaphore_mem>>) src(%arg3 : memref<367x128xf32, #tpu.memory_space<hbm>>) dst(%arg7 : memref<367x128xf32, #tpu.memory_space<vmem_shared>>)
        tpu.yield
      }) : () -> ()
    } else {
    }
    %mul3A_5 = arith.constant 128 : i32
    %mul3A_6 = arith.muli %add3A, %mul3A_5 : i32
    "tpu.region"() ({
      %run_scoped3A = tpu.sem_alloc : memref<!tpu.dma_semaphore, #tpu.memory_space<semaphore_mem>>
      %dma_start3A_489 = arith.constant 0 : i32
      %dma_start3A_490 = tpu.memref_slice %arg2[%mul3A_6, %dma_start3A_489] : memref<4096x200xi32, #tpu.memory_space<hbm>> -> memref<128x200xi32, #tpu.memory_space<hbm>>
      %dma_start3A_491 = arith.constant 0 : i32
      %dma_start3A_492 = tpu.memref_slice %arg2[%mul3A_6, %dma_start3A_491] : memref<4096x200xi32, #tpu.memory_space<hbm>> -> memref<128x200xi32, #tpu.memory_space<hbm>>
      tpu.enqueue_dma source(%dma_start3A_492 : memref<128x200xi32, #tpu.memory_space<hbm>>) target(%arg5 : memref<128x200xi32, #tpu.memory_space<vmem>>) target_semaphore(%run_scoped3A : memref<!tpu.dma_semaphore, #tpu.memory_space<semaphore_mem>>)
      %dma_wait3A_493 = arith.constant 0 : i32
      %dma_wait3A_494 = tpu.memref_slice %arg2[%mul3A_6, %dma_wait3A_493] : memref<4096x200xi32, #tpu.memory_space<hbm>> -> memref<128x200xi32, #tpu.memory_space<hbm>>
      %dma_wait3A_495 = arith.constant 0 : i32
      %dma_wait3A_496 = tpu.memref_slice %arg2[%mul3A_6, %dma_wait3A_495] : memref<4096x200xi32, #tpu.memory_space<hbm>> -> memref<128x200xi32, #tpu.memory_space<hbm>>
      tpu.wait_dma2 semaphore(%run_scoped3A : memref<!tpu.dma_semaphore, #tpu.memory_space<semaphore_mem>>) src(%dma_wait3A_496 : memref<128x200xi32, #tpu.memory_space<hbm>>) dst(%arg5 : memref<128x200xi32, #tpu.memory_space<vmem>>)
      tpu.yield
    }) : () -> ()
    %barrier3A = arith.constant 0 : index
    tpu.barrier barrier_id(%barrier3A)
    %dma_start3A = arith.constant 0 : i32
    %dma_start3A_7 = arith.constant 0 : i32
    %dma_start3A_8 = arith.constant 0 : i32
    %dma_start3A_9 = arith.constant 0 : i32
    %dma_start3A_10 = tpu.memref_slice %arg6[%dma_start3A_7, %dma_start3A_8, %dma_start3A_9] : memref<3x200x128xf32, #tpu.memory_space<vmem>> -> memref<1x200x128xf32, #tpu.memory_space<vmem>>
    %dma_start3A_11 = tpu.memref_squeeze %dma_start3A_10 : memref<1x200x128xf32, #tpu.memory_space<vmem>> -> memref<200x128xf32, #tpu.memory_space<vmem>>
    %dma_start3A_12 = arith.constant 0 : i32
    %dma_start3A_13 = arith.constant 0 : i32
    %dma_start3A_14 = tpu.memref_slice %dma_start3A_11[%dma_start3A_12, %dma_start3A_13] : memref<200x128xf32, #tpu.memory_space<vmem>> -> memref<128x128xf32, #tpu.memory_space<vmem>>
    %dma_start3A_15 = arith.constant 0 : i32
    %dma_start3A_16 = tpu.memref_slice %arg5[%dma_start3A, %dma_start3A_15] : memref<128x200xi32, #tpu.memory_space<vmem>> -> memref<1x200xi32, #tpu.memory_space<vmem>>
    %dma_start3A_17 = tpu.memref_squeeze %dma_start3A_16 : memref<1x200xi32, #tpu.memory_space<vmem>> -> memref<200xi32, #tpu.memory_space<vmem>>
    %dma_start3A_18 = arith.constant 0 : i32
    %dma_start3A_19 = tpu.memref_slice %dma_start3A_17[%dma_start3A_18] : memref<200xi32, #tpu.memory_space<vmem>> -> memref<128xi32, #tpu.memory_space<vmem>>
    %dma_start3A_20 = arith.constant 0 : i32
    %dma_start3A_21 = arith.constant 0 : i32
    %dma_start3A_22 = tpu.memref_slice %arg7[%dma_start3A_20, %dma_start3A_21] : memref<367x128xf32, #tpu.memory_space<vmem_shared>> -> memref<367x128xf32, #tpu.memory_space<vmem_shared>>
    tpu.enqueue_indirect_dma source(%dma_start3A_22 : memref<367x128xf32, #tpu.memory_space<vmem_shared>>) target(%dma_start3A_14 : memref<128x128xf32, #tpu.memory_space<vmem>>) offsets(%dma_start3A_19 : memref<128xi32, #tpu.memory_space<vmem>>) semaphore(%arg8 : memref<!tpu.dma_semaphore, #tpu.memory_space<semaphore_mem>>)
    %dma_start3A_23 = arith.constant 0 : i32
    %dma_start3A_24 = arith.constant 0 : i32
    %dma_start3A_25 = arith.constant 0 : i32
    %dma_start3A_26 = arith.constant 0 : i32
    %dma_start3A_27 = tpu.memref_slice %arg6[%dma_start3A_24, %dma_start3A_25, %dma_start3A_26] : memref<3x200x128xf32, #tpu.memory_space<vmem>> -> memref<1x200x128xf32, #tpu.memory_space<vmem>>
    %dma_start3A_28 = tpu.memref_squeeze %dma_start3A_27 : memref<1x200x128xf32, #tpu.memory_space<vmem>> -> memref<200x128xf32, #tpu.memory_space<vmem>>
    %dma_start3A_29 = arith.constant 128 : i32
    %dma_start3A_30 = arith.constant 0 : i32
    %dma_start3A_31 = tpu.memref_slice %dma_start3A_28[%dma_start3A_29, %dma_start3A_30] : memref<200x128xf32, #tpu.memory_space<vmem>> -> memref<72x128xf32, #tpu.memory_space<vmem>>
    %dma_start3A_32 = arith.constant 0 : i32
    %dma_start3A_33 = tpu.memref_slice %arg5[%dma_start3A_23, %dma_start3A_32] : memref<128x200xi32, #tpu.memory_space<vmem>> -> memref<1x200xi32, #tpu.memory_space<vmem>>
    %dma_start3A_34 = tpu.memref_squeeze %dma_start3A_33 : memref<1x200xi32, #tpu.memory_space<vmem>> -> memref<200xi32, #tpu.memory_space<vmem>>
    %dma_start3A_35 = arith.constant 128 : i32
    %dma_start3A_36 = tpu.memref_slice %dma_start3A_34[%dma_start3A_35] : memref<200xi32, #tpu.memory_space<vmem>> -> memref<72xi32, #tpu.memory_space<vmem>>
    %dma_start3A_37 = arith.constant 0 : i32
    %dma_start3A_38 = arith.constant 0 : i32
    %dma_start3A_39 = tpu.memref_slice %arg7[%dma_start3A_37, %dma_start3A_38] : memref<367x128xf32, #tpu.memory_space<vmem_shared>> -> memref<367x128xf32, #tpu.memory_space<vmem_shared>>
    tpu.enqueue_indirect_dma source(%dma_start3A_39 : memref<367x128xf32, #tpu.memory_space<vmem_shared>>) target(%dma_start3A_31 : memref<72x128xf32, #tpu.memory_space<vmem>>) offsets(%dma_start3A_36 : memref<72xi32, #tpu.memory_space<vmem>>) semaphore(%arg8 : memref<!tpu.dma_semaphore, #tpu.memory_space<semaphore_mem>>)
    %dma_start3A_40 = arith.constant 1 : i32
    %dma_start3A_41 = arith.constant 1 : i32
    %dma_start3A_42 = arith.constant 0 : i32
    %dma_start3A_43 = arith.constant 0 : i32
    %dma_start3A_44 = tpu.memref_slice %arg6[%dma_start3A_41, %dma_start3A_42, %dma_start3A_43] : memref<3x200x128xf32, #tpu.memory_space<vmem>> -> memref<1x200x128xf32, #tpu.memory_space<vmem>>
    %dma_start3A_45 = tpu.memref_squeeze %dma_start3A_44 : memref<1x200x128xf32, #tpu.memory_space<vmem>> -> memref<200x128xf32, #tpu.memory_space<vmem>>
    %dma_start3A_46 = arith.constant 0 : i32
    %dma_start3A_47 = arith.constant 0 : i32
    %dma_start3A_48 = tpu.memref_slice %dma_start3A_45[%dma_start3A_46, %dma_start3A_47] : memref<200x128xf32, #tpu.memory_space<vmem>> -> memref<128x128xf32, #tpu.memory_space<vmem>>
    %dma_start3A_49 = arith.constant 0 : i32
    %dma_start3A_50 = tpu.memref_slice %arg5[%dma_start3A_40, %dma_start3A_49] : memref<128x200xi32, #tpu.memory_space<vmem>> -> memref<1x200xi32, #tpu.memory_space<vmem>>
    %dma_start3A_51 = tpu.memref_squeeze %dma_start3A_50 : memref<1x200xi32, #tpu.memory_space<vmem>> -> memref<200xi32, #tpu.memory_space<vmem>>
    %dma_start3A_52 = arith.constant 0 : i32
    %dma_start3A_53 = tpu.memref_slice %dma_start3A_51[%dma_start3A_52] : memref<200xi32, #tpu.memory_space<vmem>> -> memref<128xi32, #tpu.memory_space<vmem>>
    %dma_start3A_54 = arith.constant 0 : i32
    %dma_start3A_55 = arith.constant 0 : i32
    %dma_start3A_56 = tpu.memref_slice %arg7[%dma_start3A_54, %dma_start3A_55] : memref<367x128xf32, #tpu.memory_space<vmem_shared>> -> memref<367x128xf32, #tpu.memory_space<vmem_shared>>
    tpu.enqueue_indirect_dma source(%dma_start3A_56 : memref<367x128xf32, #tpu.memory_space<vmem_shared>>) target(%dma_start3A_48 : memref<128x128xf32, #tpu.memory_space<vmem>>) offsets(%dma_start3A_53 : memref<128xi32, #tpu.memory_space<vmem>>) semaphore(%arg8 : memref<!tpu.dma_semaphore, #tpu.memory_space<semaphore_mem>>)
    %dma_start3A_57 = arith.constant 1 : i32
    %dma_start3A_58 = arith.constant 1 : i32
    %dma_start3A_59 = arith.constant 0 : i32
    %dma_start3A_60 = arith.constant 0 : i32
    %dma_start3A_61 = tpu.memref_slice %arg6[%dma_start3A_58, %dma_start3A_59, %dma_start3A_60] : memref<3x200x128xf32, #tpu.memory_space<vmem>> -> memref<1x200x128xf32, #tpu.memory_space<vmem>>
    %dma_start3A_62 = tpu.memref_squeeze %dma_start3A_61 : memref<1x200x128xf32, #tpu.memory_space<vmem>> -> memref<200x128xf32, #tpu.memory_space<vmem>>
    %dma_start3A_63 = arith.constant 128 : i32
    %dma_start3A_64 = arith.constant 0 : i32
    %dma_start3A_65 = tpu.memref_slice %dma_start3A_62[%dma_start3A_63, %dma_start3A_64] : memref<200x128xf32, #tpu.memory_space<vmem>> -> memref<72x128xf32, #tpu.memory_space<vmem>>
    %dma_start3A_66 = arith.constant 0 : i32
    %dma_start3A_67 = tpu.memref_slice %arg5[%dma_start3A_57, %dma_start3A_66] : memref<128x200xi32, #tpu.memory_space<vmem>> -> memref<1x200xi32, #tpu.memory_space<vmem>>
    %dma_start3A_68 = tpu.memref_squeeze %dma_start3A_67 : memref<1x200xi32, #tpu.memory_space<vmem>> -> memref<200xi32, #tpu.memory_space<vmem>>
    %dma_start3A_69 = arith.constant 128 : i32
    %dma_start3A_70 = tpu.memref_slice %dma_start3A_68[%dma_start3A_69] : memref<200xi32, #tpu.memory_space<vmem>> -> memref<72xi32, #tpu.memory_space<vmem>>
    %dma_start3A_71 = arith.constant 0 : i32
    %dma_start3A_72 = arith.constant 0 : i32
    %dma_start3A_73 = tpu.memref_slice %arg7[%dma_start3A_71, %dma_start3A_72] : memref<367x128xf32, #tpu.memory_space<vmem_shared>> -> memref<367x128xf32, #tpu.memory_space<vmem_shared>>
    tpu.enqueue_indirect_dma source(%dma_start3A_73 : memref<367x128xf32, #tpu.memory_space<vmem_shared>>) target(%dma_start3A_65 : memref<72x128xf32, #tpu.memory_space<vmem>>) offsets(%dma_start3A_70 : memref<72xi32, #tpu.memory_space<vmem>>) semaphore(%arg8 : memref<!tpu.dma_semaphore, #tpu.memory_space<semaphore_mem>>)
    %dma_start3A_74 = arith.constant 2 : i32
    %dma_start3A_75 = arith.constant 2 : i32
    %dma_start3A_76 = arith.constant 0 : i32
    %dma_start3A_77 = arith.constant 0 : i32
    %dma_start3A_78 = tpu.memref_slice %arg6[%dma_start3A_75, %dma_start3A_76, %dma_start3A_77] : memref<3x200x128xf32, #tpu.memory_space<vmem>> -> memref<1x200x128xf32, #tpu.memory_space<vmem>>
    %dma_start3A_79 = tpu.memref_squeeze %dma_start3A_78 : memref<1x200x128xf32, #tpu.memory_space<vmem>> -> memref<200x128xf32, #tpu.memory_space<vmem>>
    %dma_start3A_80 = arith.constant 0 : i32
    %dma_start3A_81 = arith.constant 0 : i32
    %dma_start3A_82 = tpu.memref_slice %dma_start3A_79[%dma_start3A_80, %dma_start3A_81] : memref<200x128xf32, #tpu.memory_space<vmem>> -> memref<128x128xf32, #tpu.memory_space<vmem>>
    %dma_start3A_83 = arith.constant 0 : i32
    %dma_start3A_84 = tpu.memref_slice %arg5[%dma_start3A_74, %dma_start3A_83] : memref<128x200xi32, #tpu.memory_space<vmem>> -> memref<1x200xi32, #tpu.memory_space<vmem>>
    %dma_start3A_85 = tpu.memref_squeeze %dma_start3A_84 : memref<1x200xi32, #tpu.memory_space<vmem>> -> memref<200xi32, #tpu.memory_space<vmem>>
    %dma_start3A_86 = arith.constant 0 : i32
    %dma_start3A_87 = tpu.memref_slice %dma_start3A_85[%dma_start3A_86] : memref<200xi32, #tpu.memory_space<vmem>> -> memref<128xi32, #tpu.memory_space<vmem>>
    %dma_start3A_88 = arith.constant 0 : i32
    %dma_start3A_89 = arith.constant 0 : i32
    %dma_start3A_90 = tpu.memref_slice %arg7[%dma_start3A_88, %dma_start3A_89] : memref<367x128xf32, #tpu.memory_space<vmem_shared>> -> memref<367x128xf32, #tpu.memory_space<vmem_shared>>
    tpu.enqueue_indirect_dma source(%dma_start3A_90 : memref<367x128xf32, #tpu.memory_space<vmem_shared>>) target(%dma_start3A_82 : memref<128x128xf32, #tpu.memory_space<vmem>>) offsets(%dma_start3A_87 : memref<128xi32, #tpu.memory_space<vmem>>) semaphore(%arg8 : memref<!tpu.dma_semaphore, #tpu.memory_space<semaphore_mem>>)
    %dma_start3A_91 = arith.constant 2 : i32
    %dma_start3A_92 = arith.constant 2 : i32
    %dma_start3A_93 = arith.constant 0 : i32
    %dma_start3A_94 = arith.constant 0 : i32
    %dma_start3A_95 = tpu.memref_slice %arg6[%dma_start3A_92, %dma_start3A_93, %dma_start3A_94] : memref<3x200x128xf32, #tpu.memory_space<vmem>> -> memref<1x200x128xf32, #tpu.memory_space<vmem>>
    %dma_start3A_96 = tpu.memref_squeeze %dma_start3A_95 : memref<1x200x128xf32, #tpu.memory_space<vmem>> -> memref<200x128xf32, #tpu.memory_space<vmem>>
    %dma_start3A_97 = arith.constant 128 : i32
    %dma_start3A_98 = arith.constant 0 : i32
    %dma_start3A_99 = tpu.memref_slice %dma_start3A_96[%dma_start3A_97, %dma_start3A_98] : memref<200x128xf32, #tpu.memory_space<vmem>> -> memref<72x128xf32, #tpu.memory_space<vmem>>
    %dma_start3A_100 = arith.constant 0 : i32
    %dma_start3A_101 = tpu.memref_slice %arg5[%dma_start3A_91, %dma_start3A_100] : memref<128x200xi32, #tpu.memory_space<vmem>> -> memref<1x200xi32, #tpu.memory_space<vmem>>
    %dma_start3A_102 = tpu.memref_squeeze %dma_start3A_101 : memref<1x200xi32, #tpu.memory_space<vmem>> -> memref<200xi32, #tpu.memory_space<vmem>>
    %dma_start3A_103 = arith.constant 128 : i32
    %dma_start3A_104 = tpu.memref_slice %dma_start3A_102[%dma_start3A_103] : memref<200xi32, #tpu.memory_space<vmem>> -> memref<72xi32, #tpu.memory_space<vmem>>
    %dma_start3A_105 = arith.constant 0 : i32
    %dma_start3A_106 = arith.constant 0 : i32
    %dma_start3A_107 = tpu.memref_slice %arg7[%dma_start3A_105, %dma_start3A_106] : memref<367x128xf32, #tpu.memory_space<vmem_shared>> -> memref<367x128xf32, #tpu.memory_space<vmem_shared>>
    tpu.enqueue_indirect_dma source(%dma_start3A_107 : memref<367x128xf32, #tpu.memory_space<vmem_shared>>) target(%dma_start3A_99 : memref<72x128xf32, #tpu.memory_space<vmem>>) offsets(%dma_start3A_104 : memref<72xi32, #tpu.memory_space<vmem>>) semaphore(%arg8 : memref<!tpu.dma_semaphore, #tpu.memory_space<semaphore_mem>>)
    %dma_wait3A = arith.constant 0 : i32
    %dma_wait3A_108 = arith.constant 0 : i32
    %dma_wait3A_109 = arith.constant 0 : i32
    %dma_wait3A_110 = arith.constant 0 : i32
    %dma_wait3A_111 = tpu.memref_slice %arg6[%dma_wait3A_108, %dma_wait3A_109, %dma_wait3A_110] : memref<3x200x128xf32, #tpu.memory_space<vmem>> -> memref<1x200x128xf32, #tpu.memory_space<vmem>>
    %dma_wait3A_112 = tpu.memref_squeeze %dma_wait3A_111 : memref<1x200x128xf32, #tpu.memory_space<vmem>> -> memref<200x128xf32, #tpu.memory_space<vmem>>
    %dma_wait3A_113 = arith.constant 0 : i32
    %dma_wait3A_114 = arith.constant 0 : i32
    %dma_wait3A_115 = tpu.memref_slice %dma_wait3A_112[%dma_wait3A_113, %dma_wait3A_114] : memref<200x128xf32, #tpu.memory_space<vmem>> -> memref<128x128xf32, #tpu.memory_space<vmem>>
    %dma_wait3A_116 = arith.constant 0 : i32
    %dma_wait3A_117 = tpu.memref_slice %arg5[%dma_wait3A, %dma_wait3A_116] : memref<128x200xi32, #tpu.memory_space<vmem>> -> memref<1x200xi32, #tpu.memory_space<vmem>>
    %dma_wait3A_118 = tpu.memref_squeeze %dma_wait3A_117 : memref<1x200xi32, #tpu.memory_space<vmem>> -> memref<200xi32, #tpu.memory_space<vmem>>
    %dma_wait3A_119 = arith.constant 0 : i32
    %dma_wait3A_120 = tpu.memref_slice %dma_wait3A_118[%dma_wait3A_119] : memref<200xi32, #tpu.memory_space<vmem>> -> memref<128xi32, #tpu.memory_space<vmem>>
    %dma_wait3A_121 = arith.constant 0 : i32
    %dma_wait3A_122 = arith.constant 0 : i32
    %dma_wait3A_123 = tpu.memref_slice %arg7[%dma_wait3A_121, %dma_wait3A_122] : memref<367x128xf32, #tpu.memory_space<vmem_shared>> -> memref<367x128xf32, #tpu.memory_space<vmem_shared>>
    tpu.wait_indirect_dma semaphore(%arg8 : memref<!tpu.dma_semaphore, #tpu.memory_space<semaphore_mem>>) src(%dma_wait3A_123 : memref<367x128xf32, #tpu.memory_space<vmem_shared>>) dst(%dma_wait3A_115 : memref<128x128xf32, #tpu.memory_space<vmem>>)
    %dma_wait3A_124 = arith.constant 0 : i32
    %dma_wait3A_125 = arith.constant 0 : i32
    %dma_wait3A_126 = arith.constant 0 : i32
    %dma_wait3A_127 = arith.constant 0 : i32
    %dma_wait3A_128 = tpu.memref_slice %arg6[%dma_wait3A_125, %dma_wait3A_126, %dma_wait3A_127] : memref<3x200x128xf32, #tpu.memory_space<vmem>> -> memref<1x200x128xf32, #tpu.memory_space<vmem>>
    %dma_wait3A_129 = tpu.memref_squeeze %dma_wait3A_128 : memref<1x200x128xf32, #tpu.memory_space<vmem>> -> memref<200x128xf32, #tpu.memory_space<vmem>>
    %dma_wait3A_130 = arith.constant 128 : i32
    %dma_wait3A_131 = arith.constant 0 : i32
    %dma_wait3A_132 = tpu.memref_slice %dma_wait3A_129[%dma_wait3A_130, %dma_wait3A_131] : memref<200x128xf32, #tpu.memory_space<vmem>> -> memref<72x128xf32, #tpu.memory_space<vmem>>
    %dma_wait3A_133 = arith.constant 0 : i32
    %dma_wait3A_134 = tpu.memref_slice %arg5[%dma_wait3A_124, %dma_wait3A_133] : memref<128x200xi32, #tpu.memory_space<vmem>> -> memref<1x200xi32, #tpu.memory_space<vmem>>
    %dma_wait3A_135 = tpu.memref_squeeze %dma_wait3A_134 : memref<1x200xi32, #tpu.memory_space<vmem>> -> memref<200xi32, #tpu.memory_space<vmem>>
    %dma_wait3A_136 = arith.constant 128 : i32
    %dma_wait3A_137 = tpu.memref_slice %dma_wait3A_135[%dma_wait3A_136] : memref<200xi32, #tpu.memory_space<vmem>> -> memref<72xi32, #tpu.memory_space<vmem>>
    %dma_wait3A_138 = arith.constant 0 : i32
    %dma_wait3A_139 = arith.constant 0 : i32
    %dma_wait3A_140 = tpu.memref_slice %arg7[%dma_wait3A_138, %dma_wait3A_139] : memref<367x128xf32, #tpu.memory_space<vmem_shared>> -> memref<367x128xf32, #tpu.memory_space<vmem_shared>>
    tpu.wait_indirect_dma semaphore(%arg8 : memref<!tpu.dma_semaphore, #tpu.memory_space<semaphore_mem>>) src(%dma_wait3A_140 : memref<367x128xf32, #tpu.memory_space<vmem_shared>>) dst(%dma_wait3A_132 : memref<72x128xf32, #tpu.memory_space<vmem>>)
    %add3A_141 = arith.constant 0 : i32
    %add3A_142 = arith.addi %mul3A_2, %add3A_141 : i32
    %dma_start3A_143 = arith.constant 0 : i32
    %dma_start3A_144 = arith.constant 0 : i32
    %dma_start3A_145 = arith.constant 0 : i32
    %dma_start3A_146 = tpu.memref_slice %arg6[%dma_start3A_143, %dma_start3A_144, %dma_start3A_145] : memref<3x200x128xf32, #tpu.memory_space<vmem>> -> memref<1x200x128xf32, #tpu.memory_space<vmem>>
    %dma_start3A_147 = tpu.memref_squeeze %dma_start3A_146 : memref<1x200x128xf32, #tpu.memory_space<vmem>> -> memref<200x128xf32, #tpu.memory_space<vmem>>
    %dma_start3A_148 = arith.constant 0 : i32
    %dma_start3A_149 = tpu.memref_slice %arg4[%add3A_142, %dma_start3A_148] : memref<819200x128xf32, #tpu.memory_space<hbm>> -> memref<200x128xf32, #tpu.memory_space<hbm>>
    %dma_start3A_150 = arith.constant 0 : i32
    %dma_start3A_151 = tpu.memref_slice %arg4[%add3A_142, %dma_start3A_150] : memref<819200x128xf32, #tpu.memory_space<hbm>> -> memref<200x128xf32, #tpu.memory_space<hbm>>
    %dma_start3A_152 = arith.constant 0 : i32
    %dma_start3A_153 = arith.constant 0 : i32
    %dma_start3A_154 = tpu.memref_slice %arg6[%dma_start3A_143, %dma_start3A_152, %dma_start3A_153] : memref<3x200x128xf32, #tpu.memory_space<vmem>> -> memref<1x200x128xf32, #tpu.memory_space<vmem>>
    %dma_start3A_155 = tpu.memref_squeeze %dma_start3A_154 : memref<1x200x128xf32, #tpu.memory_space<vmem>> -> memref<200x128xf32, #tpu.memory_space<vmem>>
    tpu.enqueue_dma source(%dma_start3A_155 : memref<200x128xf32, #tpu.memory_space<vmem>>) target(%dma_start3A_151 : memref<200x128xf32, #tpu.memory_space<hbm>>) target_semaphore(%arg9 : memref<!tpu.dma_semaphore, #tpu.memory_space<semaphore_mem>>)
    %dma_wait3A_156 = arith.constant 1 : i32
    %dma_wait3A_157 = arith.constant 1 : i32
    %dma_wait3A_158 = arith.constant 0 : i32
    %dma_wait3A_159 = arith.constant 0 : i32
    %dma_wait3A_160 = tpu.memref_slice %arg6[%dma_wait3A_157, %dma_wait3A_158, %dma_wait3A_159] : memref<3x200x128xf32, #tpu.memory_space<vmem>> -> memref<1x200x128xf32, #tpu.memory_space<vmem>>
    %dma_wait3A_161 = tpu.memref_squeeze %dma_wait3A_160 : memref<1x200x128xf32, #tpu.memory_space<vmem>> -> memref<200x128xf32, #tpu.memory_space<vmem>>
    %dma_wait3A_162 = arith.constant 0 : i32
    %dma_wait3A_163 = arith.constant 0 : i32
    %dma_wait3A_164 = tpu.memref_slice %dma_wait3A_161[%dma_wait3A_162, %dma_wait3A_163] : memref<200x128xf32, #tpu.memory_space<vmem>> -> memref<128x128xf32, #tpu.memory_space<vmem>>
    %dma_wait3A_165 = arith.constant 0 : i32
    %dma_wait3A_166 = tpu.memref_slice %arg5[%dma_wait3A_156, %dma_wait3A_165] : memref<128x200xi32, #tpu.memory_space<vmem>> -> memref<1x200xi32, #tpu.memory_space<vmem>>
    %dma_wait3A_167 = tpu.memref_squeeze %dma_wait3A_166 : memref<1x200xi32, #tpu.memory_space<vmem>> -> memref<200xi32, #tpu.memory_space<vmem>>
    %dma_wait3A_168 = arith.constant 0 : i32
    %dma_wait3A_169 = tpu.memref_slice %dma_wait3A_167[%dma_wait3A_168] : memref<200xi32, #tpu.memory_space<vmem>> -> memref<128xi32, #tpu.memory_space<vmem>>
    %dma_wait3A_170 = arith.constant 0 : i32
    %dma_wait3A_171 = arith.constant 0 : i32
    %dma_wait3A_172 = tpu.memref_slice %arg7[%dma_wait3A_170, %dma_wait3A_171] : memref<367x128xf32, #tpu.memory_space<vmem_shared>> -> memref<367x128xf32, #tpu.memory_space<vmem_shared>>
    tpu.wait_indirect_dma semaphore(%arg8 : memref<!tpu.dma_semaphore, #tpu.memory_space<semaphore_mem>>) src(%dma_wait3A_172 : memref<367x128xf32, #tpu.memory_space<vmem_shared>>) dst(%dma_wait3A_164 : memref<128x128xf32, #tpu.memory_space<vmem>>)
    %dma_wait3A_173 = arith.constant 1 : i32
    %dma_wait3A_174 = arith.constant 1 : i32
    %dma_wait3A_175 = arith.constant 0 : i32
    %dma_wait3A_176 = arith.constant 0 : i32
    %dma_wait3A_177 = tpu.memref_slice %arg6[%dma_wait3A_174, %dma_wait3A_175, %dma_wait3A_176] : memref<3x200x128xf32, #tpu.memory_space<vmem>> -> memref<1x200x128xf32, #tpu.memory_space<vmem>>
    %dma_wait3A_178 = tpu.memref_squeeze %dma_wait3A_177 : memref<1x200x128xf32, #tpu.memory_space<vmem>> -> memref<200x128xf32, #tpu.memory_space<vmem>>
    %dma_wait3A_179 = arith.constant 128 : i32
    %dma_wait3A_180 = arith.constant 0 : i32
    %dma_wait3A_181 = tpu.memref_slice %dma_wait3A_178[%dma_wait3A_179, %dma_wait3A_180] : memref<200x128xf32, #tpu.memory_space<vmem>> -> memref<72x128xf32, #tpu.memory_space<vmem>>
    %dma_wait3A_182 = arith.constant 0 : i32
    %dma_wait3A_183 = tpu.memref_slice %arg5[%dma_wait3A_173, %dma_wait3A_182] : memref<128x200xi32, #tpu.memory_space<vmem>> -> memref<1x200xi32, #tpu.memory_space<vmem>>
    %dma_wait3A_184 = tpu.memref_squeeze %dma_wait3A_183 : memref<1x200xi32, #tpu.memory_space<vmem>> -> memref<200xi32, #tpu.memory_space<vmem>>
    %dma_wait3A_185 = arith.constant 128 : i32
    %dma_wait3A_186 = tpu.memref_slice %dma_wait3A_184[%dma_wait3A_185] : memref<200xi32, #tpu.memory_space<vmem>> -> memref<72xi32, #tpu.memory_space<vmem>>
    %dma_wait3A_187 = arith.constant 0 : i32
    %dma_wait3A_188 = arith.constant 0 : i32
    %dma_wait3A_189 = tpu.memref_slice %arg7[%dma_wait3A_187, %dma_wait3A_188] : memref<367x128xf32, #tpu.memory_space<vmem_shared>> -> memref<367x128xf32, #tpu.memory_space<vmem_shared>>
    tpu.wait_indirect_dma semaphore(%arg8 : memref<!tpu.dma_semaphore, #tpu.memory_space<semaphore_mem>>) src(%dma_wait3A_189 : memref<367x128xf32, #tpu.memory_space<vmem_shared>>) dst(%dma_wait3A_181 : memref<72x128xf32, #tpu.memory_space<vmem>>)
    %add3A_190 = arith.constant 200 : i32
    %add3A_191 = arith.addi %mul3A_2, %add3A_190 : i32
    %dma_start3A_192 = arith.constant 1 : i32
    %dma_start3A_193 = arith.constant 0 : i32
    %dma_start3A_194 = arith.constant 0 : i32
    %dma_start3A_195 = tpu.memref_slice %arg6[%dma_start3A_192, %dma_start3A_193, %dma_start3A_194] : memref<3x200x128xf32, #tpu.memory_space<vmem>> -> memref<1x200x128xf32, #tpu.memory_space<vmem>>
    %dma_start3A_196 = tpu.memref_squeeze %dma_start3A_195 : memref<1x200x128xf32, #tpu.memory_space<vmem>> -> memref<200x128xf32, #tpu.memory_space<vmem>>
    %dma_start3A_197 = arith.constant 0 : i32
    %dma_start3A_198 = tpu.memref_slice %arg4[%add3A_191, %dma_start3A_197] : memref<819200x128xf32, #tpu.memory_space<hbm>> -> memref<200x128xf32, #tpu.memory_space<hbm>>
    %dma_start3A_199 = arith.constant 0 : i32
    %dma_start3A_200 = tpu.memref_slice %arg4[%add3A_191, %dma_start3A_199] : memref<819200x128xf32, #tpu.memory_space<hbm>> -> memref<200x128xf32, #tpu.memory_space<hbm>>
    %dma_start3A_201 = arith.constant 0 : i32
    %dma_start3A_202 = arith.constant 0 : i32
    %dma_start3A_203 = tpu.memref_slice %arg6[%dma_start3A_192, %dma_start3A_201, %dma_start3A_202] : memref<3x200x128xf32, #tpu.memory_space<vmem>> -> memref<1x200x128xf32, #tpu.memory_space<vmem>>
    %dma_start3A_204 = tpu.memref_squeeze %dma_start3A_203 : memref<1x200x128xf32, #tpu.memory_space<vmem>> -> memref<200x128xf32, #tpu.memory_space<vmem>>
    tpu.enqueue_dma source(%dma_start3A_204 : memref<200x128xf32, #tpu.memory_space<vmem>>) target(%dma_start3A_200 : memref<200x128xf32, #tpu.memory_space<hbm>>) target_semaphore(%arg9 : memref<!tpu.dma_semaphore, #tpu.memory_space<semaphore_mem>>)
    %scan3A = arith.constant 0 : i32
    %scan3A_205 = arith.constant 41 : i32
    %scan3A_206 = arith.addi %scan3A, %scan3A_205 : i32
    %scan3A_207 = arith.constant 1 : i32
    scf.for %scan3A_489 = %scan3A to %scan3A_206 step %scan3A_207  : i32 {
      %mul3A_490 = arith.constant 3 : i32
      %mul3A_491 = arith.muli %scan3A_489, %mul3A_490 : i32
      %add3A_492 = arith.constant 2 : i32
      %add3A_493 = arith.addi %add3A_492, %mul3A_491 : i32
      %add3A_494 = arith.constant 0 : i32
      %add3A_495 = arith.addi %add3A_493, %add3A_494 : i32
      %dma_wait3A_496 = arith.constant 2 : i32
      %dma_wait3A_497 = arith.constant 0 : i32
      %dma_wait3A_498 = arith.constant 0 : i32
      %dma_wait3A_499 = tpu.memref_slice %arg6[%dma_wait3A_496, %dma_wait3A_497, %dma_wait3A_498] : memref<3x200x128xf32, #tpu.memory_space<vmem>> -> memref<1x200x128xf32, #tpu.memory_space<vmem>>
      %dma_wait3A_500 = tpu.memref_squeeze %dma_wait3A_499 : memref<1x200x128xf32, #tpu.memory_space<vmem>> -> memref<200x128xf32, #tpu.memory_space<vmem>>
      %dma_wait3A_501 = arith.constant 0 : i32
      %dma_wait3A_502 = arith.constant 0 : i32
      %dma_wait3A_503 = tpu.memref_slice %dma_wait3A_500[%dma_wait3A_501, %dma_wait3A_502] : memref<200x128xf32, #tpu.memory_space<vmem>> -> memref<128x128xf32, #tpu.memory_space<vmem>>
      %dma_wait3A_504 = arith.constant 0 : i32
      %dma_wait3A_505 = tpu.memref_slice %arg5[%add3A_495, %dma_wait3A_504] : memref<128x200xi32, #tpu.memory_space<vmem>> -> memref<1x200xi32, #tpu.memory_space<vmem>>
      %dma_wait3A_506 = tpu.memref_squeeze %dma_wait3A_505 : memref<1x200xi32, #tpu.memory_space<vmem>> -> memref<200xi32, #tpu.memory_space<vmem>>
      %dma_wait3A_507 = arith.constant 0 : i32
      %dma_wait3A_508 = tpu.memref_slice %dma_wait3A_506[%dma_wait3A_507] : memref<200xi32, #tpu.memory_space<vmem>> -> memref<128xi32, #tpu.memory_space<vmem>>
      %dma_wait3A_509 = arith.constant 0 : i32
      %dma_wait3A_510 = arith.constant 0 : i32
      %dma_wait3A_511 = tpu.memref_slice %arg7[%dma_wait3A_509, %dma_wait3A_510] : memref<367x128xf32, #tpu.memory_space<vmem_shared>> -> memref<367x128xf32, #tpu.memory_space<vmem_shared>>
      tpu.wait_indirect_dma semaphore(%arg8 : memref<!tpu.dma_semaphore, #tpu.memory_space<semaphore_mem>>) src(%dma_wait3A_511 : memref<367x128xf32, #tpu.memory_space<vmem_shared>>) dst(%dma_wait3A_503 : memref<128x128xf32, #tpu.memory_space<vmem>>)
      %dma_wait3A_512 = arith.constant 2 : i32
      %dma_wait3A_513 = arith.constant 0 : i32
      %dma_wait3A_514 = arith.constant 0 : i32
      %dma_wait3A_515 = tpu.memref_slice %arg6[%dma_wait3A_512, %dma_wait3A_513, %dma_wait3A_514] : memref<3x200x128xf32, #tpu.memory_space<vmem>> -> memref<1x200x128xf32, #tpu.memory_space<vmem>>
      %dma_wait3A_516 = tpu.memref_squeeze %dma_wait3A_515 : memref<1x200x128xf32, #tpu.memory_space<vmem>> -> memref<200x128xf32, #tpu.memory_space<vmem>>
      %dma_wait3A_517 = arith.constant 128 : i32
      %dma_wait3A_518 = arith.constant 0 : i32
      %dma_wait3A_519 = tpu.memref_slice %dma_wait3A_516[%dma_wait3A_517, %dma_wait3A_518] : memref<200x128xf32, #tpu.memory_space<vmem>> -> memref<72x128xf32, #tpu.memory_space<vmem>>
      %dma_wait3A_520 = arith.constant 0 : i32
      %dma_wait3A_521 = tpu.memref_slice %arg5[%add3A_495, %dma_wait3A_520] : memref<128x200xi32, #tpu.memory_space<vmem>> -> memref<1x200xi32, #tpu.memory_space<vmem>>
      %dma_wait3A_522 = tpu.memref_squeeze %dma_wait3A_521 : memref<1x200xi32, #tpu.memory_space<vmem>> -> memref<200xi32, #tpu.memory_space<vmem>>
      %dma_wait3A_523 = arith.constant 128 : i32
      %dma_wait3A_524 = tpu.memref_slice %dma_wait3A_522[%dma_wait3A_523] : memref<200xi32, #tpu.memory_space<vmem>> -> memref<72xi32, #tpu.memory_space<vmem>>
      %dma_wait3A_525 = arith.constant 0 : i32
      %dma_wait3A_526 = arith.constant 0 : i32
      %dma_wait3A_527 = tpu.memref_slice %arg7[%dma_wait3A_525, %dma_wait3A_526] : memref<367x128xf32, #tpu.memory_space<vmem_shared>> -> memref<367x128xf32, #tpu.memory_space<vmem_shared>>
      tpu.wait_indirect_dma semaphore(%arg8 : memref<!tpu.dma_semaphore, #tpu.memory_space<semaphore_mem>>) src(%dma_wait3A_527 : memref<367x128xf32, #tpu.memory_space<vmem_shared>>) dst(%dma_wait3A_519 : memref<72x128xf32, #tpu.memory_space<vmem>>)
      %mul3A_528 = arith.constant 200 : i32
      %mul3A_529 = arith.muli %add3A_495, %mul3A_528 : i32
      %add3A_530 = arith.addi %mul3A_2, %mul3A_529 : i32
      %dma_start3A_531 = arith.constant 2 : i32
      %dma_start3A_532 = arith.constant 0 : i32
      %dma_start3A_533 = arith.constant 0 : i32
      %dma_start3A_534 = tpu.memref_slice %arg6[%dma_start3A_531, %dma_start3A_532, %dma_start3A_533] : memref<3x200x128xf32, #tpu.memory_space<vmem>> -> memref<1x200x128xf32, #tpu.memory_space<vmem>>
      %dma_start3A_535 = tpu.memref_squeeze %dma_start3A_534 : memref<1x200x128xf32, #tpu.memory_space<vmem>> -> memref<200x128xf32, #tpu.memory_space<vmem>>
      %dma_start3A_536 = arith.constant 0 : i32
      %dma_start3A_537 = tpu.memref_slice %arg4[%add3A_530, %dma_start3A_536] : memref<819200x128xf32, #tpu.memory_space<hbm>> -> memref<200x128xf32, #tpu.memory_space<hbm>>
      %dma_start3A_538 = arith.constant 0 : i32
      %dma_start3A_539 = tpu.memref_slice %arg4[%add3A_530, %dma_start3A_538] : memref<819200x128xf32, #tpu.memory_space<hbm>> -> memref<200x128xf32, #tpu.memory_space<hbm>>
      %dma_start3A_540 = arith.constant 0 : i32
      %dma_start3A_541 = arith.constant 0 : i32
      %dma_start3A_542 = tpu.memref_slice %arg6[%dma_start3A_531, %dma_start3A_540, %dma_start3A_541] : memref<3x200x128xf32, #tpu.memory_space<vmem>> -> memref<1x200x128xf32, #tpu.memory_space<vmem>>
      %dma_start3A_543 = tpu.memref_squeeze %dma_start3A_542 : memref<1x200x128xf32, #tpu.memory_space<vmem>> -> memref<200x128xf32, #tpu.memory_space<vmem>>
      tpu.enqueue_dma source(%dma_start3A_543 : memref<200x128xf32, #tpu.memory_space<vmem>>) target(%dma_start3A_539 : memref<200x128xf32, #tpu.memory_space<hbm>>) target_semaphore(%arg9 : memref<!tpu.dma_semaphore, #tpu.memory_space<semaphore_mem>>)
      %dma_wait3A_544 = arith.constant 0 : i32
      %dma_wait3A_545 = arith.constant 0 : i32
      %dma_wait3A_546 = arith.constant 0 : i32
      %dma_wait3A_547 = tpu.memref_slice %arg6[%dma_wait3A_544, %dma_wait3A_545, %dma_wait3A_546] : memref<3x200x128xf32, #tpu.memory_space<vmem>> -> memref<1x200x128xf32, #tpu.memory_space<vmem>>
      %dma_wait3A_548 = tpu.memref_squeeze %dma_wait3A_547 : memref<1x200x128xf32, #tpu.memory_space<vmem>> -> memref<200x128xf32, #tpu.memory_space<vmem>>
      %dma_wait3A_549 = arith.constant 0 : i32
      %dma_wait3A_550 = tpu.memref_slice %arg4[%mul3A_2, %dma_wait3A_549] : memref<819200x128xf32, #tpu.memory_space<hbm>> -> memref<200x128xf32, #tpu.memory_space<hbm>>
      %dma_wait3A_551 = arith.constant 0 : i32
      %dma_wait3A_552 = tpu.memref_slice %arg4[%mul3A_2, %dma_wait3A_551] : memref<819200x128xf32, #tpu.memory_space<hbm>> -> memref<200x128xf32, #tpu.memory_space<hbm>>
      %dma_wait3A_553 = arith.constant 0 : i32
      %dma_wait3A_554 = arith.constant 0 : i32
      %dma_wait3A_555 = tpu.memref_slice %arg6[%dma_wait3A_544, %dma_wait3A_553, %dma_wait3A_554] : memref<3x200x128xf32, #tpu.memory_space<vmem>> -> memref<1x200x128xf32, #tpu.memory_space<vmem>>
      %dma_wait3A_556 = tpu.memref_squeeze %dma_wait3A_555 : memref<1x200x128xf32, #tpu.memory_space<vmem>> -> memref<200x128xf32, #tpu.memory_space<vmem>>
      tpu.wait_dma2 semaphore(%arg9 : memref<!tpu.dma_semaphore, #tpu.memory_space<semaphore_mem>>) src(%dma_wait3A_556 : memref<200x128xf32, #tpu.memory_space<vmem>>) dst(%dma_wait3A_552 : memref<200x128xf32, #tpu.memory_space<hbm>>)
      %add3A_557 = arith.constant 1 : i32
      %add3A_558 = arith.addi %add3A_495, %add3A_557 : i32
      %dma_start3A_559 = arith.constant 0 : i32
      %dma_start3A_560 = arith.constant 0 : i32
      %dma_start3A_561 = arith.constant 0 : i32
      %dma_start3A_562 = tpu.memref_slice %arg6[%dma_start3A_559, %dma_start3A_560, %dma_start3A_561] : memref<3x200x128xf32, #tpu.memory_space<vmem>> -> memref<1x200x128xf32, #tpu.memory_space<vmem>>
      %dma_start3A_563 = tpu.memref_squeeze %dma_start3A_562 : memref<1x200x128xf32, #tpu.memory_space<vmem>> -> memref<200x128xf32, #tpu.memory_space<vmem>>
      %dma_start3A_564 = arith.constant 0 : i32
      %dma_start3A_565 = arith.constant 0 : i32
      %dma_start3A_566 = tpu.memref_slice %dma_start3A_563[%dma_start3A_564, %dma_start3A_565] : memref<200x128xf32, #tpu.memory_space<vmem>> -> memref<128x128xf32, #tpu.memory_space<vmem>>
      %dma_start3A_567 = arith.constant 0 : i32
      %dma_start3A_568 = tpu.memref_slice %arg5[%add3A_558, %dma_start3A_567] : memref<128x200xi32, #tpu.memory_space<vmem>> -> memref<1x200xi32, #tpu.memory_space<vmem>>
      %dma_start3A_569 = tpu.memref_squeeze %dma_start3A_568 : memref<1x200xi32, #tpu.memory_space<vmem>> -> memref<200xi32, #tpu.memory_space<vmem>>
      %dma_start3A_570 = arith.constant 0 : i32
      %dma_start3A_571 = tpu.memref_slice %dma_start3A_569[%dma_start3A_570] : memref<200xi32, #tpu.memory_space<vmem>> -> memref<128xi32, #tpu.memory_space<vmem>>
      %dma_start3A_572 = arith.constant 0 : i32
      %dma_start3A_573 = arith.constant 0 : i32
      %dma_start3A_574 = tpu.memref_slice %arg7[%dma_start3A_572, %dma_start3A_573] : memref<367x128xf32, #tpu.memory_space<vmem_shared>> -> memref<367x128xf32, #tpu.memory_space<vmem_shared>>
      tpu.enqueue_indirect_dma source(%dma_start3A_574 : memref<367x128xf32, #tpu.memory_space<vmem_shared>>) target(%dma_start3A_566 : memref<128x128xf32, #tpu.memory_space<vmem>>) offsets(%dma_start3A_571 : memref<128xi32, #tpu.memory_space<vmem>>) semaphore(%arg8 : memref<!tpu.dma_semaphore, #tpu.memory_space<semaphore_mem>>)
      %dma_start3A_575 = arith.constant 0 : i32
      %dma_start3A_576 = arith.constant 0 : i32
      %dma_start3A_577 = arith.constant 0 : i32
      %dma_start3A_578 = tpu.memref_slice %arg6[%dma_start3A_575, %dma_start3A_576, %dma_start3A_577] : memref<3x200x128xf32, #tpu.memory_space<vmem>> -> memref<1x200x128xf32, #tpu.memory_space<vmem>>
      %dma_start3A_579 = tpu.memref_squeeze %dma_start3A_578 : memref<1x200x128xf32, #tpu.memory_space<vmem>> -> memref<200x128xf32, #tpu.memory_space<vmem>>
      %dma_start3A_580 = arith.constant 128 : i32
      %dma_start3A_581 = arith.constant 0 : i32
      %dma_start3A_582 = tpu.memref_slice %dma_start3A_579[%dma_start3A_580, %dma_start3A_581] : memref<200x128xf32, #tpu.memory_space<vmem>> -> memref<72x128xf32, #tpu.memory_space<vmem>>
      %dma_start3A_583 = arith.constant 0 : i32
      %dma_start3A_584 = tpu.memref_slice %arg5[%add3A_558, %dma_start3A_583] : memref<128x200xi32, #tpu.memory_space<vmem>> -> memref<1x200xi32, #tpu.memory_space<vmem>>
      %dma_start3A_585 = tpu.memref_squeeze %dma_start3A_584 : memref<1x200xi32, #tpu.memory_space<vmem>> -> memref<200xi32, #tpu.memory_space<vmem>>
      %dma_start3A_586 = arith.constant 128 : i32
      %dma_start3A_587 = tpu.memref_slice %dma_start3A_585[%dma_start3A_586] : memref<200xi32, #tpu.memory_space<vmem>> -> memref<72xi32, #tpu.memory_space<vmem>>
      %dma_start3A_588 = arith.constant 0 : i32
      %dma_start3A_589 = arith.constant 0 : i32
      %dma_start3A_590 = tpu.memref_slice %arg7[%dma_start3A_588, %dma_start3A_589] : memref<367x128xf32, #tpu.memory_space<vmem_shared>> -> memref<367x128xf32, #tpu.memory_space<vmem_shared>>
      tpu.enqueue_indirect_dma source(%dma_start3A_590 : memref<367x128xf32, #tpu.memory_space<vmem_shared>>) target(%dma_start3A_582 : memref<72x128xf32, #tpu.memory_space<vmem>>) offsets(%dma_start3A_587 : memref<72xi32, #tpu.memory_space<vmem>>) semaphore(%arg8 : memref<!tpu.dma_semaphore, #tpu.memory_space<semaphore_mem>>)
      %mul3A_591 = arith.constant 3 : i32
      %mul3A_592 = arith.muli %scan3A_489, %mul3A_591 : i32
      %add3A_593 = arith.constant 2 : i32
      %add3A_594 = arith.addi %add3A_593, %mul3A_592 : i32
      %add3A_595 = arith.constant 1 : i32
      %add3A_596 = arith.addi %add3A_594, %add3A_595 : i32
      %dma_wait3A_597 = arith.constant 0 : i32
      %dma_wait3A_598 = arith.constant 0 : i32
      %dma_wait3A_599 = arith.constant 0 : i32
      %dma_wait3A_600 = tpu.memref_slice %arg6[%dma_wait3A_597, %dma_wait3A_598, %dma_wait3A_599] : memref<3x200x128xf32, #tpu.memory_space<vmem>> -> memref<1x200x128xf32, #tpu.memory_space<vmem>>
      %dma_wait3A_601 = tpu.memref_squeeze %dma_wait3A_600 : memref<1x200x128xf32, #tpu.memory_space<vmem>> -> memref<200x128xf32, #tpu.memory_space<vmem>>
      %dma_wait3A_602 = arith.constant 0 : i32
      %dma_wait3A_603 = arith.constant 0 : i32
      %dma_wait3A_604 = tpu.memref_slice %dma_wait3A_601[%dma_wait3A_602, %dma_wait3A_603] : memref<200x128xf32, #tpu.memory_space<vmem>> -> memref<128x128xf32, #tpu.memory_space<vmem>>
      %dma_wait3A_605 = arith.constant 0 : i32
      %dma_wait3A_606 = tpu.memref_slice %arg5[%add3A_596, %dma_wait3A_605] : memref<128x200xi32, #tpu.memory_space<vmem>> -> memref<1x200xi32, #tpu.memory_space<vmem>>
      %dma_wait3A_607 = tpu.memref_squeeze %dma_wait3A_606 : memref<1x200xi32, #tpu.memory_space<vmem>> -> memref<200xi32, #tpu.memory_space<vmem>>
      %dma_wait3A_608 = arith.constant 0 : i32
      %dma_wait3A_609 = tpu.memref_slice %dma_wait3A_607[%dma_wait3A_608] : memref<200xi32, #tpu.memory_space<vmem>> -> memref<128xi32, #tpu.memory_space<vmem>>
      %dma_wait3A_610 = arith.constant 0 : i32
      %dma_wait3A_611 = arith.constant 0 : i32
      %dma_wait3A_612 = tpu.memref_slice %arg7[%dma_wait3A_610, %dma_wait3A_611] : memref<367x128xf32, #tpu.memory_space<vmem_shared>> -> memref<367x128xf32, #tpu.memory_space<vmem_shared>>
      tpu.wait_indirect_dma semaphore(%arg8 : memref<!tpu.dma_semaphore, #tpu.memory_space<semaphore_mem>>) src(%dma_wait3A_612 : memref<367x128xf32, #tpu.memory_space<vmem_shared>>) dst(%dma_wait3A_604 : memref<128x128xf32, #tpu.memory_space<vmem>>)
      %dma_wait3A_613 = arith.constant 0 : i32
      %dma_wait3A_614 = arith.constant 0 : i32
      %dma_wait3A_615 = arith.constant 0 : i32
      %dma_wait3A_616 = tpu.memref_slice %arg6[%dma_wait3A_613, %dma_wait3A_614, %dma_wait3A_615] : memref<3x200x128xf32, #tpu.memory_space<vmem>> -> memref<1x200x128xf32, #tpu.memory_space<vmem>>
      %dma_wait3A_617 = tpu.memref_squeeze %dma_wait3A_616 : memref<1x200x128xf32, #tpu.memory_space<vmem>> -> memref<200x128xf32, #tpu.memory_space<vmem>>
      %dma_wait3A_618 = arith.constant 128 : i32
      %dma_wait3A_619 = arith.constant 0 : i32
      %dma_wait3A_620 = tpu.memref_slice %dma_wait3A_617[%dma_wait3A_618, %dma_wait3A_619] : memref<200x128xf32, #tpu.memory_space<vmem>> -> memref<72x128xf32, #tpu.memory_space<vmem>>
      %dma_wait3A_621 = arith.constant 0 : i32
      %dma_wait3A_622 = tpu.memref_slice %arg5[%add3A_596, %dma_wait3A_621] : memref<128x200xi32, #tpu.memory_space<vmem>> -> memref<1x200xi32, #tpu.memory_space<vmem>>
      %dma_wait3A_623 = tpu.memref_squeeze %dma_wait3A_622 : memref<1x200xi32, #tpu.memory_space<vmem>> -> memref<200xi32, #tpu.memory_space<vmem>>
      %dma_wait3A_624 = arith.constant 128 : i32
      %dma_wait3A_625 = tpu.memref_slice %dma_wait3A_623[%dma_wait3A_624] : memref<200xi32, #tpu.memory_space<vmem>> -> memref<72xi32, #tpu.memory_space<vmem>>
      %dma_wait3A_626 = arith.constant 0 : i32
      %dma_wait3A_627 = arith.constant 0 : i32
      %dma_wait3A_628 = tpu.memref_slice %arg7[%dma_wait3A_626, %dma_wait3A_627] : memref<367x128xf32, #tpu.memory_space<vmem_shared>> -> memref<367x128xf32, #tpu.memory_space<vmem_shared>>
      tpu.wait_indirect_dma semaphore(%arg8 : memref<!tpu.dma_semaphore, #tpu.memory_space<semaphore_mem>>) src(%dma_wait3A_628 : memref<367x128xf32, #tpu.memory_space<vmem_shared>>) dst(%dma_wait3A_620 : memref<72x128xf32, #tpu.memory_space<vmem>>)
      %mul3A_629 = arith.constant 200 : i32
      %mul3A_630 = arith.muli %add3A_596, %mul3A_629 : i32
      %add3A_631 = arith.addi %mul3A_2, %mul3A_630 : i32
      %dma_start3A_632 = arith.constant 0 : i32
      %dma_start3A_633 = arith.constant 0 : i32
      %dma_start3A_634 = arith.constant 0 : i32
      %dma_start3A_635 = tpu.memref_slice %arg6[%dma_start3A_632, %dma_start3A_633, %dma_start3A_634] : memref<3x200x128xf32, #tpu.memory_space<vmem>> -> memref<1x200x128xf32, #tpu.memory_space<vmem>>
      %dma_start3A_636 = tpu.memref_squeeze %dma_start3A_635 : memref<1x200x128xf32, #tpu.memory_space<vmem>> -> memref<200x128xf32, #tpu.memory_space<vmem>>
      %dma_start3A_637 = arith.constant 0 : i32
      %dma_start3A_638 = tpu.memref_slice %arg4[%add3A_631, %dma_start3A_637] : memref<819200x128xf32, #tpu.memory_space<hbm>> -> memref<200x128xf32, #tpu.memory_space<hbm>>
      %dma_start3A_639 = arith.constant 0 : i32
      %dma_start3A_640 = tpu.memref_slice %arg4[%add3A_631, %dma_start3A_639] : memref<819200x128xf32, #tpu.memory_space<hbm>> -> memref<200x128xf32, #tpu.memory_space<hbm>>
      %dma_start3A_641 = arith.constant 0 : i32
      %dma_start3A_642 = arith.constant 0 : i32
      %dma_start3A_643 = tpu.memref_slice %arg6[%dma_start3A_632, %dma_start3A_641, %dma_start3A_642] : memref<3x200x128xf32, #tpu.memory_space<vmem>> -> memref<1x200x128xf32, #tpu.memory_space<vmem>>
      %dma_start3A_644 = tpu.memref_squeeze %dma_start3A_643 : memref<1x200x128xf32, #tpu.memory_space<vmem>> -> memref<200x128xf32, #tpu.memory_space<vmem>>
      tpu.enqueue_dma source(%dma_start3A_644 : memref<200x128xf32, #tpu.memory_space<vmem>>) target(%dma_start3A_640 : memref<200x128xf32, #tpu.memory_space<hbm>>) target_semaphore(%arg9 : memref<!tpu.dma_semaphore, #tpu.memory_space<semaphore_mem>>)
      %dma_wait3A_645 = arith.constant 0 : i32
      %dma_wait3A_646 = arith.constant 0 : i32
      %dma_wait3A_647 = arith.constant 0 : i32
      %dma_wait3A_648 = tpu.memref_slice %arg6[%dma_wait3A_645, %dma_wait3A_646, %dma_wait3A_647] : memref<3x200x128xf32, #tpu.memory_space<vmem>> -> memref<1x200x128xf32, #tpu.memory_space<vmem>>
      %dma_wait3A_649 = tpu.memref_squeeze %dma_wait3A_648 : memref<1x200x128xf32, #tpu.memory_space<vmem>> -> memref<200x128xf32, #tpu.memory_space<vmem>>
      %dma_wait3A_650 = arith.constant 0 : i32
      %dma_wait3A_651 = tpu.memref_slice %arg4[%mul3A_2, %dma_wait3A_650] : memref<819200x128xf32, #tpu.memory_space<hbm>> -> memref<200x128xf32, #tpu.memory_space<hbm>>
      %dma_wait3A_652 = arith.constant 0 : i32
      %dma_wait3A_653 = tpu.memref_slice %arg4[%mul3A_2, %dma_wait3A_652] : memref<819200x128xf32, #tpu.memory_space<hbm>> -> memref<200x128xf32, #tpu.memory_space<hbm>>
      %dma_wait3A_654 = arith.constant 0 : i32
      %dma_wait3A_655 = arith.constant 0 : i32
      %dma_wait3A_656 = tpu.memref_slice %arg6[%dma_wait3A_645, %dma_wait3A_654, %dma_wait3A_655] : memref<3x200x128xf32, #tpu.memory_space<vmem>> -> memref<1x200x128xf32, #tpu.memory_space<vmem>>
      %dma_wait3A_657 = tpu.memref_squeeze %dma_wait3A_656 : memref<1x200x128xf32, #tpu.memory_space<vmem>> -> memref<200x128xf32, #tpu.memory_space<vmem>>
      tpu.wait_dma2 semaphore(%arg9 : memref<!tpu.dma_semaphore, #tpu.memory_space<semaphore_mem>>) src(%dma_wait3A_657 : memref<200x128xf32, #tpu.memory_space<vmem>>) dst(%dma_wait3A_653 : memref<200x128xf32, #tpu.memory_space<hbm>>)
      %add3A_658 = arith.constant 1 : i32
      %add3A_659 = arith.addi %add3A_596, %add3A_658 : i32
      %dma_start3A_660 = arith.constant 1 : i32
      %dma_start3A_661 = arith.constant 0 : i32
      %dma_start3A_662 = arith.constant 0 : i32
      %dma_start3A_663 = tpu.memref_slice %arg6[%dma_start3A_660, %dma_start3A_661, %dma_start3A_662] : memref<3x200x128xf32, #tpu.memory_space<vmem>> -> memref<1x200x128xf32, #tpu.memory_space<vmem>>
      %dma_start3A_664 = tpu.memref_squeeze %dma_start3A_663 : memref<1x200x128xf32, #tpu.memory_space<vmem>> -> memref<200x128xf32, #tpu.memory_space<vmem>>
      %dma_start3A_665 = arith.constant 0 : i32
      %dma_start3A_666 = arith.constant 0 : i32
      %dma_start3A_667 = tpu.memref_slice %dma_start3A_664[%dma_start3A_665, %dma_start3A_666] : memref<200x128xf32, #tpu.memory_space<vmem>> -> memref<128x128xf32, #tpu.memory_space<vmem>>
      %dma_start3A_668 = arith.constant 0 : i32
      %dma_start3A_669 = tpu.memref_slice %arg5[%add3A_659, %dma_start3A_668] : memref<128x200xi32, #tpu.memory_space<vmem>> -> memref<1x200xi32, #tpu.memory_space<vmem>>
      %dma_start3A_670 = tpu.memref_squeeze %dma_start3A_669 : memref<1x200xi32, #tpu.memory_space<vmem>> -> memref<200xi32, #tpu.memory_space<vmem>>
      %dma_start3A_671 = arith.constant 0 : i32
      %dma_start3A_672 = tpu.memref_slice %dma_start3A_670[%dma_start3A_671] : memref<200xi32, #tpu.memory_space<vmem>> -> memref<128xi32, #tpu.memory_space<vmem>>
      %dma_start3A_673 = arith.constant 0 : i32
      %dma_start3A_674 = arith.constant 0 : i32
      %dma_start3A_675 = tpu.memref_slice %arg7[%dma_start3A_673, %dma_start3A_674] : memref<367x128xf32, #tpu.memory_space<vmem_shared>> -> memref<367x128xf32, #tpu.memory_space<vmem_shared>>
      tpu.enqueue_indirect_dma source(%dma_start3A_675 : memref<367x128xf32, #tpu.memory_space<vmem_shared>>) target(%dma_start3A_667 : memref<128x128xf32, #tpu.memory_space<vmem>>) offsets(%dma_start3A_672 : memref<128xi32, #tpu.memory_space<vmem>>) semaphore(%arg8 : memref<!tpu.dma_semaphore, #tpu.memory_space<semaphore_mem>>)
      %dma_start3A_676 = arith.constant 1 : i32
      %dma_start3A_677 = arith.constant 0 : i32
      %dma_start3A_678 = arith.constant 0 : i32
      %dma_start3A_679 = tpu.memref_slice %arg6[%dma_start3A_676, %dma_start3A_677, %dma_start3A_678] : memref<3x200x128xf32, #tpu.memory_space<vmem>> -> memref<1x200x128xf32, #tpu.memory_space<vmem>>
      %dma_start3A_680 = tpu.memref_squeeze %dma_start3A_679 : memref<1x200x128xf32, #tpu.memory_space<vmem>> -> memref<200x128xf32, #tpu.memory_space<vmem>>
      %dma_start3A_681 = arith.constant 128 : i32
      %dma_start3A_682 = arith.constant 0 : i32
      %dma_start3A_683 = tpu.memref_slice %dma_start3A_680[%dma_start3A_681, %dma_start3A_682] : memref<200x128xf32, #tpu.memory_space<vmem>> -> memref<72x128xf32, #tpu.memory_space<vmem>>
      %dma_start3A_684 = arith.constant 0 : i32
      %dma_start3A_685 = tpu.memref_slice %arg5[%add3A_659, %dma_start3A_684] : memref<128x200xi32, #tpu.memory_space<vmem>> -> memref<1x200xi32, #tpu.memory_space<vmem>>
      %dma_start3A_686 = tpu.memref_squeeze %dma_start3A_685 : memref<1x200xi32, #tpu.memory_space<vmem>> -> memref<200xi32, #tpu.memory_space<vmem>>
      %dma_start3A_687 = arith.constant 128 : i32
      %dma_start3A_688 = tpu.memref_slice %dma_start3A_686[%dma_start3A_687] : memref<200xi32, #tpu.memory_space<vmem>> -> memref<72xi32, #tpu.memory_space<vmem>>
      %dma_start3A_689 = arith.constant 0 : i32
      %dma_start3A_690 = arith.constant 0 : i32
      %dma_start3A_691 = tpu.memref_slice %arg7[%dma_start3A_689, %dma_start3A_690] : memref<367x128xf32, #tpu.memory_space<vmem_shared>> -> memref<367x128xf32, #tpu.memory_space<vmem_shared>>
      tpu.enqueue_indirect_dma source(%dma_start3A_691 : memref<367x128xf32, #tpu.memory_space<vmem_shared>>) target(%dma_start3A_683 : memref<72x128xf32, #tpu.memory_space<vmem>>) offsets(%dma_start3A_688 : memref<72xi32, #tpu.memory_space<vmem>>) semaphore(%arg8 : memref<!tpu.dma_semaphore, #tpu.memory_space<semaphore_mem>>)
      %mul3A_692 = arith.constant 3 : i32
      %mul3A_693 = arith.muli %scan3A_489, %mul3A_692 : i32
      %add3A_694 = arith.constant 2 : i32
      %add3A_695 = arith.addi %add3A_694, %mul3A_693 : i32
      %add3A_696 = arith.constant 2 : i32
      %add3A_697 = arith.addi %add3A_695, %add3A_696 : i32
      %dma_wait3A_698 = arith.constant 1 : i32
      %dma_wait3A_699 = arith.constant 0 : i32
      %dma_wait3A_700 = arith.constant 0 : i32
      %dma_wait3A_701 = tpu.memref_slice %arg6[%dma_wait3A_698, %dma_wait3A_699, %dma_wait3A_700] : memref<3x200x128xf32, #tpu.memory_space<vmem>> -> memref<1x200x128xf32, #tpu.memory_space<vmem>>
      %dma_wait3A_702 = tpu.memref_squeeze %dma_wait3A_701 : memref<1x200x128xf32, #tpu.memory_space<vmem>> -> memref<200x128xf32, #tpu.memory_space<vmem>>
      %dma_wait3A_703 = arith.constant 0 : i32
      %dma_wait3A_704 = arith.constant 0 : i32
      %dma_wait3A_705 = tpu.memref_slice %dma_wait3A_702[%dma_wait3A_703, %dma_wait3A_704] : memref<200x128xf32, #tpu.memory_space<vmem>> -> memref<128x128xf32, #tpu.memory_space<vmem>>
      %dma_wait3A_706 = arith.constant 0 : i32
      %dma_wait3A_707 = tpu.memref_slice %arg5[%add3A_697, %dma_wait3A_706] : memref<128x200xi32, #tpu.memory_space<vmem>> -> memref<1x200xi32, #tpu.memory_space<vmem>>
      %dma_wait3A_708 = tpu.memref_squeeze %dma_wait3A_707 : memref<1x200xi32, #tpu.memory_space<vmem>> -> memref<200xi32, #tpu.memory_space<vmem>>
      %dma_wait3A_709 = arith.constant 0 : i32
      %dma_wait3A_710 = tpu.memref_slice %dma_wait3A_708[%dma_wait3A_709] : memref<200xi32, #tpu.memory_space<vmem>> -> memref<128xi32, #tpu.memory_space<vmem>>
      %dma_wait3A_711 = arith.constant 0 : i32
      %dma_wait3A_712 = arith.constant 0 : i32
      %dma_wait3A_713 = tpu.memref_slice %arg7[%dma_wait3A_711, %dma_wait3A_712] : memref<367x128xf32, #tpu.memory_space<vmem_shared>> -> memref<367x128xf32, #tpu.memory_space<vmem_shared>>
      tpu.wait_indirect_dma semaphore(%arg8 : memref<!tpu.dma_semaphore, #tpu.memory_space<semaphore_mem>>) src(%dma_wait3A_713 : memref<367x128xf32, #tpu.memory_space<vmem_shared>>) dst(%dma_wait3A_705 : memref<128x128xf32, #tpu.memory_space<vmem>>)
      %dma_wait3A_714 = arith.constant 1 : i32
      %dma_wait3A_715 = arith.constant 0 : i32
      %dma_wait3A_716 = arith.constant 0 : i32
      %dma_wait3A_717 = tpu.memref_slice %arg6[%dma_wait3A_714, %dma_wait3A_715, %dma_wait3A_716] : memref<3x200x128xf32, #tpu.memory_space<vmem>> -> memref<1x200x128xf32, #tpu.memory_space<vmem>>
      %dma_wait3A_718 = tpu.memref_squeeze %dma_wait3A_717 : memref<1x200x128xf32, #tpu.memory_space<vmem>> -> memref<200x128xf32, #tpu.memory_space<vmem>>
      %dma_wait3A_719 = arith.constant 128 : i32
      %dma_wait3A_720 = arith.constant 0 : i32
      %dma_wait3A_721 = tpu.memref_slice %dma_wait3A_718[%dma_wait3A_719, %dma_wait3A_720] : memref<200x128xf32, #tpu.memory_space<vmem>> -> memref<72x128xf32, #tpu.memory_space<vmem>>
      %dma_wait3A_722 = arith.constant 0 : i32
      %dma_wait3A_723 = tpu.memref_slice %arg5[%add3A_697, %dma_wait3A_722] : memref<128x200xi32, #tpu.memory_space<vmem>> -> memref<1x200xi32, #tpu.memory_space<vmem>>
      %dma_wait3A_724 = tpu.memref_squeeze %dma_wait3A_723 : memref<1x200xi32, #tpu.memory_space<vmem>> -> memref<200xi32, #tpu.memory_space<vmem>>
      %dma_wait3A_725 = arith.constant 128 : i32
      %dma_wait3A_726 = tpu.memref_slice %dma_wait3A_724[%dma_wait3A_725] : memref<200xi32, #tpu.memory_space<vmem>> -> memref<72xi32, #tpu.memory_space<vmem>>
      %dma_wait3A_727 = arith.constant 0 : i32
      %dma_wait3A_728 = arith.constant 0 : i32
      %dma_wait3A_729 = tpu.memref_slice %arg7[%dma_wait3A_727, %dma_wait3A_728] : memref<367x128xf32, #tpu.memory_space<vmem_shared>> -> memref<367x128xf32, #tpu.memory_space<vmem_shared>>
      tpu.wait_indirect_dma semaphore(%arg8 : memref<!tpu.dma_semaphore, #tpu.memory_space<semaphore_mem>>) src(%dma_wait3A_729 : memref<367x128xf32, #tpu.memory_space<vmem_shared>>) dst(%dma_wait3A_721 : memref<72x128xf32, #tpu.memory_space<vmem>>)
      %mul3A_730 = arith.constant 200 : i32
      %mul3A_731 = arith.muli %add3A_697, %mul3A_730 : i32
      %add3A_732 = arith.addi %mul3A_2, %mul3A_731 : i32
      %dma_start3A_733 = arith.constant 1 : i32
      %dma_start3A_734 = arith.constant 0 : i32
      %dma_start3A_735 = arith.constant 0 : i32
      %dma_start3A_736 = tpu.memref_slice %arg6[%dma_start3A_733, %dma_start3A_734, %dma_start3A_735] : memref<3x200x128xf32, #tpu.memory_space<vmem>> -> memref<1x200x128xf32, #tpu.memory_space<vmem>>
      %dma_start3A_737 = tpu.memref_squeeze %dma_start3A_736 : memref<1x200x128xf32, #tpu.memory_space<vmem>> -> memref<200x128xf32, #tpu.memory_space<vmem>>
      %dma_start3A_738 = arith.constant 0 : i32
      %dma_start3A_739 = tpu.memref_slice %arg4[%add3A_732, %dma_start3A_738] : memref<819200x128xf32, #tpu.memory_space<hbm>> -> memref<200x128xf32, #tpu.memory_space<hbm>>
      %dma_start3A_740 = arith.constant 0 : i32
      %dma_start3A_741 = tpu.memref_slice %arg4[%add3A_732, %dma_start3A_740] : memref<819200x128xf32, #tpu.memory_space<hbm>> -> memref<200x128xf32, #tpu.memory_space<hbm>>
      %dma_start3A_742 = arith.constant 0 : i32
      %dma_start3A_743 = arith.constant 0 : i32
      %dma_start3A_744 = tpu.memref_slice %arg6[%dma_start3A_733, %dma_start3A_742, %dma_start3A_743] : memref<3x200x128xf32, #tpu.memory_space<vmem>> -> memref<1x200x128xf32, #tpu.memory_space<vmem>>
      %dma_start3A_745 = tpu.memref_squeeze %dma_start3A_744 : memref<1x200x128xf32, #tpu.memory_space<vmem>> -> memref<200x128xf32, #tpu.memory_space<vmem>>
      tpu.enqueue_dma source(%dma_start3A_745 : memref<200x128xf32, #tpu.memory_space<vmem>>) target(%dma_start3A_741 : memref<200x128xf32, #tpu.memory_space<hbm>>) target_semaphore(%arg9 : memref<!tpu.dma_semaphore, #tpu.memory_space<semaphore_mem>>)
      %dma_wait3A_746 = arith.constant 0 : i32
      %dma_wait3A_747 = arith.constant 0 : i32
      %dma_wait3A_748 = arith.constant 0 : i32
      %dma_wait3A_749 = tpu.memref_slice %arg6[%dma_wait3A_746, %dma_wait3A_747, %dma_wait3A_748] : memref<3x200x128xf32, #tpu.memory_space<vmem>> -> memref<1x200x128xf32, #tpu.memory_space<vmem>>
      %dma_wait3A_750 = tpu.memref_squeeze %dma_wait3A_749 : memref<1x200x128xf32, #tpu.memory_space<vmem>> -> memref<200x128xf32, #tpu.memory_space<vmem>>
      %dma_wait3A_751 = arith.constant 0 : i32
      %dma_wait3A_752 = tpu.memref_slice %arg4[%mul3A_2, %dma_wait3A_751] : memref<819200x128xf32, #tpu.memory_space<hbm>> -> memref<200x128xf32, #tpu.memory_space<hbm>>
      %dma_wait3A_753 = arith.constant 0 : i32
      %dma_wait3A_754 = tpu.memref_slice %arg4[%mul3A_2, %dma_wait3A_753] : memref<819200x128xf32, #tpu.memory_space<hbm>> -> memref<200x128xf32, #tpu.memory_space<hbm>>
      %dma_wait3A_755 = arith.constant 0 : i32
      %dma_wait3A_756 = arith.constant 0 : i32
      %dma_wait3A_757 = tpu.memref_slice %arg6[%dma_wait3A_746, %dma_wait3A_755, %dma_wait3A_756] : memref<3x200x128xf32, #tpu.memory_space<vmem>> -> memref<1x200x128xf32, #tpu.memory_space<vmem>>
      %dma_wait3A_758 = tpu.memref_squeeze %dma_wait3A_757 : memref<1x200x128xf32, #tpu.memory_space<vmem>> -> memref<200x128xf32, #tpu.memory_space<vmem>>
      tpu.wait_dma2 semaphore(%arg9 : memref<!tpu.dma_semaphore, #tpu.memory_space<semaphore_mem>>) src(%dma_wait3A_758 : memref<200x128xf32, #tpu.memory_space<vmem>>) dst(%dma_wait3A_754 : memref<200x128xf32, #tpu.memory_space<hbm>>)
      %add3A_759 = arith.constant 1 : i32
      %add3A_760 = arith.addi %add3A_697, %add3A_759 : i32
      %dma_start3A_761 = arith.constant 2 : i32
      %dma_start3A_762 = arith.constant 0 : i32
      %dma_start3A_763 = arith.constant 0 : i32
      %dma_start3A_764 = tpu.memref_slice %arg6[%dma_start3A_761, %dma_start3A_762, %dma_start3A_763] : memref<3x200x128xf32, #tpu.memory_space<vmem>> -> memref<1x200x128xf32, #tpu.memory_space<vmem>>
      %dma_start3A_765 = tpu.memref_squeeze %dma_start3A_764 : memref<1x200x128xf32, #tpu.memory_space<vmem>> -> memref<200x128xf32, #tpu.memory_space<vmem>>
      %dma_start3A_766 = arith.constant 0 : i32
      %dma_start3A_767 = arith.constant 0 : i32
      %dma_start3A_768 = tpu.memref_slice %dma_start3A_765[%dma_start3A_766, %dma_start3A_767] : memref<200x128xf32, #tpu.memory_space<vmem>> -> memref<128x128xf32, #tpu.memory_space<vmem>>
      %dma_start3A_769 = arith.constant 0 : i32
      %dma_start3A_770 = tpu.memref_slice %arg5[%add3A_760, %dma_start3A_769] : memref<128x200xi32, #tpu.memory_space<vmem>> -> memref<1x200xi32, #tpu.memory_space<vmem>>
      %dma_start3A_771 = tpu.memref_squeeze %dma_start3A_770 : memref<1x200xi32, #tpu.memory_space<vmem>> -> memref<200xi32, #tpu.memory_space<vmem>>
      %dma_start3A_772 = arith.constant 0 : i32
      %dma_start3A_773 = tpu.memref_slice %dma_start3A_771[%dma_start3A_772] : memref<200xi32, #tpu.memory_space<vmem>> -> memref<128xi32, #tpu.memory_space<vmem>>
      %dma_start3A_774 = arith.constant 0 : i32
      %dma_start3A_775 = arith.constant 0 : i32
      %dma_start3A_776 = tpu.memref_slice %arg7[%dma_start3A_774, %dma_start3A_775] : memref<367x128xf32, #tpu.memory_space<vmem_shared>> -> memref<367x128xf32, #tpu.memory_space<vmem_shared>>
      tpu.enqueue_indirect_dma source(%dma_start3A_776 : memref<367x128xf32, #tpu.memory_space<vmem_shared>>) target(%dma_start3A_768 : memref<128x128xf32, #tpu.memory_space<vmem>>) offsets(%dma_start3A_773 : memref<128xi32, #tpu.memory_space<vmem>>) semaphore(%arg8 : memref<!tpu.dma_semaphore, #tpu.memory_space<semaphore_mem>>)
      %dma_start3A_777 = arith.constant 2 : i32
      %dma_start3A_778 = arith.constant 0 : i32
      %dma_start3A_779 = arith.constant 0 : i32
      %dma_start3A_780 = tpu.memref_slice %arg6[%dma_start3A_777, %dma_start3A_778, %dma_start3A_779] : memref<3x200x128xf32, #tpu.memory_space<vmem>> -> memref<1x200x128xf32, #tpu.memory_space<vmem>>
      %dma_start3A_781 = tpu.memref_squeeze %dma_start3A_780 : memref<1x200x128xf32, #tpu.memory_space<vmem>> -> memref<200x128xf32, #tpu.memory_space<vmem>>
      %dma_start3A_782 = arith.constant 128 : i32
      %dma_start3A_783 = arith.constant 0 : i32
      %dma_start3A_784 = tpu.memref_slice %dma_start3A_781[%dma_start3A_782, %dma_start3A_783] : memref<200x128xf32, #tpu.memory_space<vmem>> -> memref<72x128xf32, #tpu.memory_space<vmem>>
      %dma_start3A_785 = arith.constant 0 : i32
      %dma_start3A_786 = tpu.memref_slice %arg5[%add3A_760, %dma_start3A_785] : memref<128x200xi32, #tpu.memory_space<vmem>> -> memref<1x200xi32, #tpu.memory_space<vmem>>
      %dma_start3A_787 = tpu.memref_squeeze %dma_start3A_786 : memref<1x200xi32, #tpu.memory_space<vmem>> -> memref<200xi32, #tpu.memory_space<vmem>>
      %dma_start3A_788 = arith.constant 128 : i32
      %dma_start3A_789 = tpu.memref_slice %dma_start3A_787[%dma_start3A_788] : memref<200xi32, #tpu.memory_space<vmem>> -> memref<72xi32, #tpu.memory_space<vmem>>
      %dma_start3A_790 = arith.constant 0 : i32
      %dma_start3A_791 = arith.constant 0 : i32
      %dma_start3A_792 = tpu.memref_slice %arg7[%dma_start3A_790, %dma_start3A_791] : memref<367x128xf32, #tpu.memory_space<vmem_shared>> -> memref<367x128xf32, #tpu.memory_space<vmem_shared>>
      tpu.enqueue_indirect_dma source(%dma_start3A_792 : memref<367x128xf32, #tpu.memory_space<vmem_shared>>) target(%dma_start3A_784 : memref<72x128xf32, #tpu.memory_space<vmem>>) offsets(%dma_start3A_789 : memref<72xi32, #tpu.memory_space<vmem>>) semaphore(%arg8 : memref<!tpu.dma_semaphore, #tpu.memory_space<semaphore_mem>>)
    }
    %scan3A_208 = arith.constant 41 : i32
    %dma_wait3A_209 = arith.constant 125 : i32
    %dma_wait3A_210 = arith.constant 2 : i32
    %dma_wait3A_211 = arith.constant 0 : i32
    %dma_wait3A_212 = arith.constant 0 : i32
    %dma_wait3A_213 = tpu.memref_slice %arg6[%dma_wait3A_210, %dma_wait3A_211, %dma_wait3A_212] : memref<3x200x128xf32, #tpu.memory_space<vmem>> -> memref<1x200x128xf32, #tpu.memory_space<vmem>>
    %dma_wait3A_214 = tpu.memref_squeeze %dma_wait3A_213 : memref<1x200x128xf32, #tpu.memory_space<vmem>> -> memref<200x128xf32, #tpu.memory_space<vmem>>
    %dma_wait3A_215 = arith.constant 0 : i32
    %dma_wait3A_216 = arith.constant 0 : i32
    %dma_wait3A_217 = tpu.memref_slice %dma_wait3A_214[%dma_wait3A_215, %dma_wait3A_216] : memref<200x128xf32, #tpu.memory_space<vmem>> -> memref<128x128xf32, #tpu.memory_space<vmem>>
    %dma_wait3A_218 = arith.constant 0 : i32
    %dma_wait3A_219 = tpu.memref_slice %arg5[%dma_wait3A_209, %dma_wait3A_218] : memref<128x200xi32, #tpu.memory_space<vmem>> -> memref<1x200xi32, #tpu.memory_space<vmem>>
    %dma_wait3A_220 = tpu.memref_squeeze %dma_wait3A_219 : memref<1x200xi32, #tpu.memory_space<vmem>> -> memref<200xi32, #tpu.memory_space<vmem>>
    %dma_wait3A_221 = arith.constant 0 : i32
    %dma_wait3A_222 = tpu.memref_slice %dma_wait3A_220[%dma_wait3A_221] : memref<200xi32, #tpu.memory_space<vmem>> -> memref<128xi32, #tpu.memory_space<vmem>>
    %dma_wait3A_223 = arith.constant 0 : i32
    %dma_wait3A_224 = arith.constant 0 : i32
    %dma_wait3A_225 = tpu.memref_slice %arg7[%dma_wait3A_223, %dma_wait3A_224] : memref<367x128xf32, #tpu.memory_space<vmem_shared>> -> memref<367x128xf32, #tpu.memory_space<vmem_shared>>
    tpu.wait_indirect_dma semaphore(%arg8 : memref<!tpu.dma_semaphore, #tpu.memory_space<semaphore_mem>>) src(%dma_wait3A_225 : memref<367x128xf32, #tpu.memory_space<vmem_shared>>) dst(%dma_wait3A_217 : memref<128x128xf32, #tpu.memory_space<vmem>>)
    %dma_wait3A_226 = arith.constant 125 : i32
    %dma_wait3A_227 = arith.constant 2 : i32
    %dma_wait3A_228 = arith.constant 0 : i32
    %dma_wait3A_229 = arith.constant 0 : i32
    %dma_wait3A_230 = tpu.memref_slice %arg6[%dma_wait3A_227, %dma_wait3A_228, %dma_wait3A_229] : memref<3x200x128xf32, #tpu.memory_space<vmem>> -> memref<1x200x128xf32, #tpu.memory_space<vmem>>
    %dma_wait3A_231 = tpu.memref_squeeze %dma_wait3A_230 : memref<1x200x128xf32, #tpu.memory_space<vmem>> -> memref<200x128xf32, #tpu.memory_space<vmem>>
    %dma_wait3A_232 = arith.constant 128 : i32
    %dma_wait3A_233 = arith.constant 0 : i32
    %dma_wait3A_234 = tpu.memref_slice %dma_wait3A_231[%dma_wait3A_232, %dma_wait3A_233] : memref<200x128xf32, #tpu.memory_space<vmem>> -> memref<72x128xf32, #tpu.memory_space<vmem>>
    %dma_wait3A_235 = arith.constant 0 : i32
    %dma_wait3A_236 = tpu.memref_slice %arg5[%dma_wait3A_226, %dma_wait3A_235] : memref<128x200xi32, #tpu.memory_space<vmem>> -> memref<1x200xi32, #tpu.memory_space<vmem>>
    %dma_wait3A_237 = tpu.memref_squeeze %dma_wait3A_236 : memref<1x200xi32, #tpu.memory_space<vmem>> -> memref<200xi32, #tpu.memory_space<vmem>>
    %dma_wait3A_238 = arith.constant 128 : i32
    %dma_wait3A_239 = tpu.memref_slice %dma_wait3A_237[%dma_wait3A_238] : memref<200xi32, #tpu.memory_space<vmem>> -> memref<72xi32, #tpu.memory_space<vmem>>
    %dma_wait3A_240 = arith.constant 0 : i32
    %dma_wait3A_241 = arith.constant 0 : i32
    %dma_wait3A_242 = tpu.memref_slice %arg7[%dma_wait3A_240, %dma_wait3A_241] : memref<367x128xf32, #tpu.memory_space<vmem_shared>> -> memref<367x128xf32, #tpu.memory_space<vmem_shared>>
    tpu.wait_indirect_dma semaphore(%arg8 : memref<!tpu.dma_semaphore, #tpu.memory_space<semaphore_mem>>) src(%dma_wait3A_242 : memref<367x128xf32, #tpu.memory_space<vmem_shared>>) dst(%dma_wait3A_234 : memref<72x128xf32, #tpu.memory_space<vmem>>)
    %add3A_243 = arith.constant 25000 : i32
    %add3A_244 = arith.addi %mul3A_2, %add3A_243 : i32
    %dma_start3A_245 = arith.constant 2 : i32
    %dma_start3A_246 = arith.constant 0 : i32
    %dma_start3A_247 = arith.constant 0 : i32
    %dma_start3A_248 = tpu.memref_slice %arg6[%dma_start3A_245, %dma_start3A_246, %dma_start3A_247] : memref<3x200x128xf32, #tpu.memory_space<vmem>> -> memref<1x200x128xf32, #tpu.memory_space<vmem>>
    %dma_start3A_249 = tpu.memref_squeeze %dma_start3A_248 : memref<1x200x128xf32, #tpu.memory_space<vmem>> -> memref<200x128xf32, #tpu.memory_space<vmem>>
    %dma_start3A_250 = arith.constant 0 : i32
    %dma_start3A_251 = tpu.memref_slice %arg4[%add3A_244, %dma_start3A_250] : memref<819200x128xf32, #tpu.memory_space<hbm>> -> memref<200x128xf32, #tpu.memory_space<hbm>>
    %dma_start3A_252 = arith.constant 0 : i32
    %dma_start3A_253 = tpu.memref_slice %arg4[%add3A_244, %dma_start3A_252] : memref<819200x128xf32, #tpu.memory_space<hbm>> -> memref<200x128xf32, #tpu.memory_space<hbm>>
    %dma_start3A_254 = arith.constant 0 : i32
    %dma_start3A_255 = arith.constant 0 : i32
    %dma_start3A_256 = tpu.memref_slice %arg6[%dma_start3A_245, %dma_start3A_254, %dma_start3A_255] : memref<3x200x128xf32, #tpu.memory_space<vmem>> -> memref<1x200x128xf32, #tpu.memory_space<vmem>>
    %dma_start3A_257 = tpu.memref_squeeze %dma_start3A_256 : memref<1x200x128xf32, #tpu.memory_space<vmem>> -> memref<200x128xf32, #tpu.memory_space<vmem>>
    tpu.enqueue_dma source(%dma_start3A_257 : memref<200x128xf32, #tpu.memory_space<vmem>>) target(%dma_start3A_253 : memref<200x128xf32, #tpu.memory_space<hbm>>) target_semaphore(%arg9 : memref<!tpu.dma_semaphore, #tpu.memory_space<semaphore_mem>>)
    %dma_wait3A_258 = arith.constant 0 : i32
    %dma_wait3A_259 = arith.constant 0 : i32
    %dma_wait3A_260 = arith.constant 0 : i32
    %dma_wait3A_261 = tpu.memref_slice %arg6[%dma_wait3A_258, %dma_wait3A_259, %dma_wait3A_260] : memref<3x200x128xf32, #tpu.memory_space<vmem>> -> memref<1x200x128xf32, #tpu.memory_space<vmem>>
    %dma_wait3A_262 = tpu.memref_squeeze %dma_wait3A_261 : memref<1x200x128xf32, #tpu.memory_space<vmem>> -> memref<200x128xf32, #tpu.memory_space<vmem>>
    %dma_wait3A_263 = arith.constant 0 : i32
    %dma_wait3A_264 = tpu.memref_slice %arg4[%mul3A_2, %dma_wait3A_263] : memref<819200x128xf32, #tpu.memory_space<hbm>> -> memref<200x128xf32, #tpu.memory_space<hbm>>
    %dma_wait3A_265 = arith.constant 0 : i32
    %dma_wait3A_266 = tpu.memref_slice %arg4[%mul3A_2, %dma_wait3A_265] : memref<819200x128xf32, #tpu.memory_space<hbm>> -> memref<200x128xf32, #tpu.memory_space<hbm>>
    %dma_wait3A_267 = arith.constant 0 : i32
    %dma_wait3A_268 = arith.constant 0 : i32
    %dma_wait3A_269 = tpu.memref_slice %arg6[%dma_wait3A_258, %dma_wait3A_267, %dma_wait3A_268] : memref<3x200x128xf32, #tpu.memory_space<vmem>> -> memref<1x200x128xf32, #tpu.memory_space<vmem>>
    %dma_wait3A_270 = tpu.memref_squeeze %dma_wait3A_269 : memref<1x200x128xf32, #tpu.memory_space<vmem>> -> memref<200x128xf32, #tpu.memory_space<vmem>>
    tpu.wait_dma2 semaphore(%arg9 : memref<!tpu.dma_semaphore, #tpu.memory_space<semaphore_mem>>) src(%dma_wait3A_270 : memref<200x128xf32, #tpu.memory_space<vmem>>) dst(%dma_wait3A_266 : memref<200x128xf32, #tpu.memory_space<hbm>>)
    %dma_start3A_271 = arith.constant 126 : i32
    %dma_start3A_272 = arith.constant 0 : i32
    %dma_start3A_273 = arith.constant 0 : i32
    %dma_start3A_274 = arith.constant 0 : i32
    %dma_start3A_275 = tpu.memref_slice %arg6[%dma_start3A_272, %dma_start3A_273, %dma_start3A_274] : memref<3x200x128xf32, #tpu.memory_space<vmem>> -> memref<1x200x128xf32, #tpu.memory_space<vmem>>
    %dma_start3A_276 = tpu.memref_squeeze %dma_start3A_275 : memref<1x200x128xf32, #tpu.memory_space<vmem>> -> memref<200x128xf32, #tpu.memory_space<vmem>>
    %dma_start3A_277 = arith.constant 0 : i32
    %dma_start3A_278 = arith.constant 0 : i32
    %dma_start3A_279 = tpu.memref_slice %dma_start3A_276[%dma_start3A_277, %dma_start3A_278] : memref<200x128xf32, #tpu.memory_space<vmem>> -> memref<128x128xf32, #tpu.memory_space<vmem>>
    %dma_start3A_280 = arith.constant 0 : i32
    %dma_start3A_281 = tpu.memref_slice %arg5[%dma_start3A_271, %dma_start3A_280] : memref<128x200xi32, #tpu.memory_space<vmem>> -> memref<1x200xi32, #tpu.memory_space<vmem>>
    %dma_start3A_282 = tpu.memref_squeeze %dma_start3A_281 : memref<1x200xi32, #tpu.memory_space<vmem>> -> memref<200xi32, #tpu.memory_space<vmem>>
    %dma_start3A_283 = arith.constant 0 : i32
    %dma_start3A_284 = tpu.memref_slice %dma_start3A_282[%dma_start3A_283] : memref<200xi32, #tpu.memory_space<vmem>> -> memref<128xi32, #tpu.memory_space<vmem>>
    %dma_start3A_285 = arith.constant 0 : i32
    %dma_start3A_286 = arith.constant 0 : i32
    %dma_start3A_287 = tpu.memref_slice %arg7[%dma_start3A_285, %dma_start3A_286] : memref<367x128xf32, #tpu.memory_space<vmem_shared>> -> memref<367x128xf32, #tpu.memory_space<vmem_shared>>
    tpu.enqueue_indirect_dma source(%dma_start3A_287 : memref<367x128xf32, #tpu.memory_space<vmem_shared>>) target(%dma_start3A_279 : memref<128x128xf32, #tpu.memory_space<vmem>>) offsets(%dma_start3A_284 : memref<128xi32, #tpu.memory_space<vmem>>) semaphore(%arg8 : memref<!tpu.dma_semaphore, #tpu.memory_space<semaphore_mem>>)
    %dma_start3A_288 = arith.constant 126 : i32
    %dma_start3A_289 = arith.constant 0 : i32
    %dma_start3A_290 = arith.constant 0 : i32
    %dma_start3A_291 = arith.constant 0 : i32
    %dma_start3A_292 = tpu.memref_slice %arg6[%dma_start3A_289, %dma_start3A_290, %dma_start3A_291] : memref<3x200x128xf32, #tpu.memory_space<vmem>> -> memref<1x200x128xf32, #tpu.memory_space<vmem>>
    %dma_start3A_293 = tpu.memref_squeeze %dma_start3A_292 : memref<1x200x128xf32, #tpu.memory_space<vmem>> -> memref<200x128xf32, #tpu.memory_space<vmem>>
    %dma_start3A_294 = arith.constant 128 : i32
    %dma_start3A_295 = arith.constant 0 : i32
    %dma_start3A_296 = tpu.memref_slice %dma_start3A_293[%dma_start3A_294, %dma_start3A_295] : memref<200x128xf32, #tpu.memory_space<vmem>> -> memref<72x128xf32, #tpu.memory_space<vmem>>
    %dma_start3A_297 = arith.constant 0 : i32
    %dma_start3A_298 = tpu.memref_slice %arg5[%dma_start3A_288, %dma_start3A_297] : memref<128x200xi32, #tpu.memory_space<vmem>> -> memref<1x200xi32, #tpu.memory_space<vmem>>
    %dma_start3A_299 = tpu.memref_squeeze %dma_start3A_298 : memref<1x200xi32, #tpu.memory_space<vmem>> -> memref<200xi32, #tpu.memory_space<vmem>>
    %dma_start3A_300 = arith.constant 128 : i32
    %dma_start3A_301 = tpu.memref_slice %dma_start3A_299[%dma_start3A_300] : memref<200xi32, #tpu.memory_space<vmem>> -> memref<72xi32, #tpu.memory_space<vmem>>
    %dma_start3A_302 = arith.constant 0 : i32
    %dma_start3A_303 = arith.constant 0 : i32
    %dma_start3A_304 = tpu.memref_slice %arg7[%dma_start3A_302, %dma_start3A_303] : memref<367x128xf32, #tpu.memory_space<vmem_shared>> -> memref<367x128xf32, #tpu.memory_space<vmem_shared>>
    tpu.enqueue_indirect_dma source(%dma_start3A_304 : memref<367x128xf32, #tpu.memory_space<vmem_shared>>) target(%dma_start3A_296 : memref<72x128xf32, #tpu.memory_space<vmem>>) offsets(%dma_start3A_301 : memref<72xi32, #tpu.memory_space<vmem>>) semaphore(%arg8 : memref<!tpu.dma_semaphore, #tpu.memory_space<semaphore_mem>>)
    %dma_wait3A_305 = arith.constant 126 : i32
    %dma_wait3A_306 = arith.constant 0 : i32
    %dma_wait3A_307 = arith.constant 0 : i32
    %dma_wait3A_308 = arith.constant 0 : i32
    %dma_wait3A_309 = tpu.memref_slice %arg6[%dma_wait3A_306, %dma_wait3A_307, %dma_wait3A_308] : memref<3x200x128xf32, #tpu.memory_space<vmem>> -> memref<1x200x128xf32, #tpu.memory_space<vmem>>
    %dma_wait3A_310 = tpu.memref_squeeze %dma_wait3A_309 : memref<1x200x128xf32, #tpu.memory_space<vmem>> -> memref<200x128xf32, #tpu.memory_space<vmem>>
    %dma_wait3A_311 = arith.constant 0 : i32
    %dma_wait3A_312 = arith.constant 0 : i32
    %dma_wait3A_313 = tpu.memref_slice %dma_wait3A_310[%dma_wait3A_311, %dma_wait3A_312] : memref<200x128xf32, #tpu.memory_space<vmem>> -> memref<128x128xf32, #tpu.memory_space<vmem>>
    %dma_wait3A_314 = arith.constant 0 : i32
    %dma_wait3A_315 = tpu.memref_slice %arg5[%dma_wait3A_305, %dma_wait3A_314] : memref<128x200xi32, #tpu.memory_space<vmem>> -> memref<1x200xi32, #tpu.memory_space<vmem>>
    %dma_wait3A_316 = tpu.memref_squeeze %dma_wait3A_315 : memref<1x200xi32, #tpu.memory_space<vmem>> -> memref<200xi32, #tpu.memory_space<vmem>>
    %dma_wait3A_317 = arith.constant 0 : i32
    %dma_wait3A_318 = tpu.memref_slice %dma_wait3A_316[%dma_wait3A_317] : memref<200xi32, #tpu.memory_space<vmem>> -> memref<128xi32, #tpu.memory_space<vmem>>
    %dma_wait3A_319 = arith.constant 0 : i32
    %dma_wait3A_320 = arith.constant 0 : i32
    %dma_wait3A_321 = tpu.memref_slice %arg7[%dma_wait3A_319, %dma_wait3A_320] : memref<367x128xf32, #tpu.memory_space<vmem_shared>> -> memref<367x128xf32, #tpu.memory_space<vmem_shared>>
    tpu.wait_indirect_dma semaphore(%arg8 : memref<!tpu.dma_semaphore, #tpu.memory_space<semaphore_mem>>) src(%dma_wait3A_321 : memref<367x128xf32, #tpu.memory_space<vmem_shared>>) dst(%dma_wait3A_313 : memref<128x128xf32, #tpu.memory_space<vmem>>)
    %dma_wait3A_322 = arith.constant 126 : i32
    %dma_wait3A_323 = arith.constant 0 : i32
    %dma_wait3A_324 = arith.constant 0 : i32
    %dma_wait3A_325 = arith.constant 0 : i32
    %dma_wait3A_326 = tpu.memref_slice %arg6[%dma_wait3A_323, %dma_wait3A_324, %dma_wait3A_325] : memref<3x200x128xf32, #tpu.memory_space<vmem>> -> memref<1x200x128xf32, #tpu.memory_space<vmem>>
    %dma_wait3A_327 = tpu.memref_squeeze %dma_wait3A_326 : memref<1x200x128xf32, #tpu.memory_space<vmem>> -> memref<200x128xf32, #tpu.memory_space<vmem>>
    %dma_wait3A_328 = arith.constant 128 : i32
    %dma_wait3A_329 = arith.constant 0 : i32
    %dma_wait3A_330 = tpu.memref_slice %dma_wait3A_327[%dma_wait3A_328, %dma_wait3A_329] : memref<200x128xf32, #tpu.memory_space<vmem>> -> memref<72x128xf32, #tpu.memory_space<vmem>>
    %dma_wait3A_331 = arith.constant 0 : i32
    %dma_wait3A_332 = tpu.memref_slice %arg5[%dma_wait3A_322, %dma_wait3A_331] : memref<128x200xi32, #tpu.memory_space<vmem>> -> memref<1x200xi32, #tpu.memory_space<vmem>>
    %dma_wait3A_333 = tpu.memref_squeeze %dma_wait3A_332 : memref<1x200xi32, #tpu.memory_space<vmem>> -> memref<200xi32, #tpu.memory_space<vmem>>
    %dma_wait3A_334 = arith.constant 128 : i32
    %dma_wait3A_335 = tpu.memref_slice %dma_wait3A_333[%dma_wait3A_334] : memref<200xi32, #tpu.memory_space<vmem>> -> memref<72xi32, #tpu.memory_space<vmem>>
    %dma_wait3A_336 = arith.constant 0 : i32
    %dma_wait3A_337 = arith.constant 0 : i32
    %dma_wait3A_338 = tpu.memref_slice %arg7[%dma_wait3A_336, %dma_wait3A_337] : memref<367x128xf32, #tpu.memory_space<vmem_shared>> -> memref<367x128xf32, #tpu.memory_space<vmem_shared>>
    tpu.wait_indirect_dma semaphore(%arg8 : memref<!tpu.dma_semaphore, #tpu.memory_space<semaphore_mem>>) src(%dma_wait3A_338 : memref<367x128xf32, #tpu.memory_space<vmem_shared>>) dst(%dma_wait3A_330 : memref<72x128xf32, #tpu.memory_space<vmem>>)
    %add3A_339 = arith.constant 25200 : i32
    %add3A_340 = arith.addi %mul3A_2, %add3A_339 : i32
    %dma_start3A_341 = arith.constant 0 : i32
    %dma_start3A_342 = arith.constant 0 : i32
    %dma_start3A_343 = arith.constant 0 : i32
    %dma_start3A_344 = tpu.memref_slice %arg6[%dma_start3A_341, %dma_start3A_342, %dma_start3A_343] : memref<3x200x128xf32, #tpu.memory_space<vmem>> -> memref<1x200x128xf32, #tpu.memory_space<vmem>>
    %dma_start3A_345 = tpu.memref_squeeze %dma_start3A_344 : memref<1x200x128xf32, #tpu.memory_space<vmem>> -> memref<200x128xf32, #tpu.memory_space<vmem>>
    %dma_start3A_346 = arith.constant 0 : i32
    %dma_start3A_347 = tpu.memref_slice %arg4[%add3A_340, %dma_start3A_346] : memref<819200x128xf32, #tpu.memory_space<hbm>> -> memref<200x128xf32, #tpu.memory_space<hbm>>
    %dma_start3A_348 = arith.constant 0 : i32
    %dma_start3A_349 = tpu.memref_slice %arg4[%add3A_340, %dma_start3A_348] : memref<819200x128xf32, #tpu.memory_space<hbm>> -> memref<200x128xf32, #tpu.memory_space<hbm>>
    %dma_start3A_350 = arith.constant 0 : i32
    %dma_start3A_351 = arith.constant 0 : i32
    %dma_start3A_352 = tpu.memref_slice %arg6[%dma_start3A_341, %dma_start3A_350, %dma_start3A_351] : memref<3x200x128xf32, #tpu.memory_space<vmem>> -> memref<1x200x128xf32, #tpu.memory_space<vmem>>
    %dma_start3A_353 = tpu.memref_squeeze %dma_start3A_352 : memref<1x200x128xf32, #tpu.memory_space<vmem>> -> memref<200x128xf32, #tpu.memory_space<vmem>>
    tpu.enqueue_dma source(%dma_start3A_353 : memref<200x128xf32, #tpu.memory_space<vmem>>) target(%dma_start3A_349 : memref<200x128xf32, #tpu.memory_space<hbm>>) target_semaphore(%arg9 : memref<!tpu.dma_semaphore, #tpu.memory_space<semaphore_mem>>)
    %dma_wait3A_354 = arith.constant 0 : i32
    %dma_wait3A_355 = arith.constant 0 : i32
    %dma_wait3A_356 = arith.constant 0 : i32
    %dma_wait3A_357 = tpu.memref_slice %arg6[%dma_wait3A_354, %dma_wait3A_355, %dma_wait3A_356] : memref<3x200x128xf32, #tpu.memory_space<vmem>> -> memref<1x200x128xf32, #tpu.memory_space<vmem>>
    %dma_wait3A_358 = tpu.memref_squeeze %dma_wait3A_357 : memref<1x200x128xf32, #tpu.memory_space<vmem>> -> memref<200x128xf32, #tpu.memory_space<vmem>>
    %dma_wait3A_359 = arith.constant 0 : i32
    %dma_wait3A_360 = tpu.memref_slice %arg4[%mul3A_2, %dma_wait3A_359] : memref<819200x128xf32, #tpu.memory_space<hbm>> -> memref<200x128xf32, #tpu.memory_space<hbm>>
    %dma_wait3A_361 = arith.constant 0 : i32
    %dma_wait3A_362 = tpu.memref_slice %arg4[%mul3A_2, %dma_wait3A_361] : memref<819200x128xf32, #tpu.memory_space<hbm>> -> memref<200x128xf32, #tpu.memory_space<hbm>>
    %dma_wait3A_363 = arith.constant 0 : i32
    %dma_wait3A_364 = arith.constant 0 : i32
    %dma_wait3A_365 = tpu.memref_slice %arg6[%dma_wait3A_354, %dma_wait3A_363, %dma_wait3A_364] : memref<3x200x128xf32, #tpu.memory_space<vmem>> -> memref<1x200x128xf32, #tpu.memory_space<vmem>>
    %dma_wait3A_366 = tpu.memref_squeeze %dma_wait3A_365 : memref<1x200x128xf32, #tpu.memory_space<vmem>> -> memref<200x128xf32, #tpu.memory_space<vmem>>
    tpu.wait_dma2 semaphore(%arg9 : memref<!tpu.dma_semaphore, #tpu.memory_space<semaphore_mem>>) src(%dma_wait3A_366 : memref<200x128xf32, #tpu.memory_space<vmem>>) dst(%dma_wait3A_362 : memref<200x128xf32, #tpu.memory_space<hbm>>)
    %dma_start3A_367 = arith.constant 127 : i32
    %dma_start3A_368 = arith.constant 1 : i32
    %dma_start3A_369 = arith.constant 0 : i32
    %dma_start3A_370 = arith.constant 0 : i32
    %dma_start3A_371 = tpu.memref_slice %arg6[%dma_start3A_368, %dma_start3A_369, %dma_start3A_370] : memref<3x200x128xf32, #tpu.memory_space<vmem>> -> memref<1x200x128xf32, #tpu.memory_space<vmem>>
    %dma_start3A_372 = tpu.memref_squeeze %dma_start3A_371 : memref<1x200x128xf32, #tpu.memory_space<vmem>> -> memref<200x128xf32, #tpu.memory_space<vmem>>
    %dma_start3A_373 = arith.constant 0 : i32
    %dma_start3A_374 = arith.constant 0 : i32
    %dma_start3A_375 = tpu.memref_slice %dma_start3A_372[%dma_start3A_373, %dma_start3A_374] : memref<200x128xf32, #tpu.memory_space<vmem>> -> memref<128x128xf32, #tpu.memory_space<vmem>>
    %dma_start3A_376 = arith.constant 0 : i32
    %dma_start3A_377 = tpu.memref_slice %arg5[%dma_start3A_367, %dma_start3A_376] : memref<128x200xi32, #tpu.memory_space<vmem>> -> memref<1x200xi32, #tpu.memory_space<vmem>>
    %dma_start3A_378 = tpu.memref_squeeze %dma_start3A_377 : memref<1x200xi32, #tpu.memory_space<vmem>> -> memref<200xi32, #tpu.memory_space<vmem>>
    %dma_start3A_379 = arith.constant 0 : i32
    %dma_start3A_380 = tpu.memref_slice %dma_start3A_378[%dma_start3A_379] : memref<200xi32, #tpu.memory_space<vmem>> -> memref<128xi32, #tpu.memory_space<vmem>>
    %dma_start3A_381 = arith.constant 0 : i32
    %dma_start3A_382 = arith.constant 0 : i32
    %dma_start3A_383 = tpu.memref_slice %arg7[%dma_start3A_381, %dma_start3A_382] : memref<367x128xf32, #tpu.memory_space<vmem_shared>> -> memref<367x128xf32, #tpu.memory_space<vmem_shared>>
    tpu.enqueue_indirect_dma source(%dma_start3A_383 : memref<367x128xf32, #tpu.memory_space<vmem_shared>>) target(%dma_start3A_375 : memref<128x128xf32, #tpu.memory_space<vmem>>) offsets(%dma_start3A_380 : memref<128xi32, #tpu.memory_space<vmem>>) semaphore(%arg8 : memref<!tpu.dma_semaphore, #tpu.memory_space<semaphore_mem>>)
    %dma_start3A_384 = arith.constant 127 : i32
    %dma_start3A_385 = arith.constant 1 : i32
    %dma_start3A_386 = arith.constant 0 : i32
    %dma_start3A_387 = arith.constant 0 : i32
    %dma_start3A_388 = tpu.memref_slice %arg6[%dma_start3A_385, %dma_start3A_386, %dma_start3A_387] : memref<3x200x128xf32, #tpu.memory_space<vmem>> -> memref<1x200x128xf32, #tpu.memory_space<vmem>>
    %dma_start3A_389 = tpu.memref_squeeze %dma_start3A_388 : memref<1x200x128xf32, #tpu.memory_space<vmem>> -> memref<200x128xf32, #tpu.memory_space<vmem>>
    %dma_start3A_390 = arith.constant 128 : i32
    %dma_start3A_391 = arith.constant 0 : i32
    %dma_start3A_392 = tpu.memref_slice %dma_start3A_389[%dma_start3A_390, %dma_start3A_391] : memref<200x128xf32, #tpu.memory_space<vmem>> -> memref<72x128xf32, #tpu.memory_space<vmem>>
    %dma_start3A_393 = arith.constant 0 : i32
    %dma_start3A_394 = tpu.memref_slice %arg5[%dma_start3A_384, %dma_start3A_393] : memref<128x200xi32, #tpu.memory_space<vmem>> -> memref<1x200xi32, #tpu.memory_space<vmem>>
    %dma_start3A_395 = tpu.memref_squeeze %dma_start3A_394 : memref<1x200xi32, #tpu.memory_space<vmem>> -> memref<200xi32, #tpu.memory_space<vmem>>
    %dma_start3A_396 = arith.constant 128 : i32
    %dma_start3A_397 = tpu.memref_slice %dma_start3A_395[%dma_start3A_396] : memref<200xi32, #tpu.memory_space<vmem>> -> memref<72xi32, #tpu.memory_space<vmem>>
    %dma_start3A_398 = arith.constant 0 : i32
    %dma_start3A_399 = arith.constant 0 : i32
    %dma_start3A_400 = tpu.memref_slice %arg7[%dma_start3A_398, %dma_start3A_399] : memref<367x128xf32, #tpu.memory_space<vmem_shared>> -> memref<367x128xf32, #tpu.memory_space<vmem_shared>>
    tpu.enqueue_indirect_dma source(%dma_start3A_400 : memref<367x128xf32, #tpu.memory_space<vmem_shared>>) target(%dma_start3A_392 : memref<72x128xf32, #tpu.memory_space<vmem>>) offsets(%dma_start3A_397 : memref<72xi32, #tpu.memory_space<vmem>>) semaphore(%arg8 : memref<!tpu.dma_semaphore, #tpu.memory_space<semaphore_mem>>)
    %dma_wait3A_401 = arith.constant 127 : i32
    %dma_wait3A_402 = arith.constant 1 : i32
    %dma_wait3A_403 = arith.constant 0 : i32
    %dma_wait3A_404 = arith.constant 0 : i32
    %dma_wait3A_405 = tpu.memref_slice %arg6[%dma_wait3A_402, %dma_wait3A_403, %dma_wait3A_404] : memref<3x200x128xf32, #tpu.memory_space<vmem>> -> memref<1x200x128xf32, #tpu.memory_space<vmem>>
    %dma_wait3A_406 = tpu.memref_squeeze %dma_wait3A_405 : memref<1x200x128xf32, #tpu.memory_space<vmem>> -> memref<200x128xf32, #tpu.memory_space<vmem>>
    %dma_wait3A_407 = arith.constant 0 : i32
    %dma_wait3A_408 = arith.constant 0 : i32
    %dma_wait3A_409 = tpu.memref_slice %dma_wait3A_406[%dma_wait3A_407, %dma_wait3A_408] : memref<200x128xf32, #tpu.memory_space<vmem>> -> memref<128x128xf32, #tpu.memory_space<vmem>>
    %dma_wait3A_410 = arith.constant 0 : i32
    %dma_wait3A_411 = tpu.memref_slice %arg5[%dma_wait3A_401, %dma_wait3A_410] : memref<128x200xi32, #tpu.memory_space<vmem>> -> memref<1x200xi32, #tpu.memory_space<vmem>>
    %dma_wait3A_412 = tpu.memref_squeeze %dma_wait3A_411 : memref<1x200xi32, #tpu.memory_space<vmem>> -> memref<200xi32, #tpu.memory_space<vmem>>
    %dma_wait3A_413 = arith.constant 0 : i32
    %dma_wait3A_414 = tpu.memref_slice %dma_wait3A_412[%dma_wait3A_413] : memref<200xi32, #tpu.memory_space<vmem>> -> memref<128xi32, #tpu.memory_space<vmem>>
    %dma_wait3A_415 = arith.constant 0 : i32
    %dma_wait3A_416 = arith.constant 0 : i32
    %dma_wait3A_417 = tpu.memref_slice %arg7[%dma_wait3A_415, %dma_wait3A_416] : memref<367x128xf32, #tpu.memory_space<vmem_shared>> -> memref<367x128xf32, #tpu.memory_space<vmem_shared>>
    tpu.wait_indirect_dma semaphore(%arg8 : memref<!tpu.dma_semaphore, #tpu.memory_space<semaphore_mem>>) src(%dma_wait3A_417 : memref<367x128xf32, #tpu.memory_space<vmem_shared>>) dst(%dma_wait3A_409 : memref<128x128xf32, #tpu.memory_space<vmem>>)
    %dma_wait3A_418 = arith.constant 127 : i32
    %dma_wait3A_419 = arith.constant 1 : i32
    %dma_wait3A_420 = arith.constant 0 : i32
    %dma_wait3A_421 = arith.constant 0 : i32
    %dma_wait3A_422 = tpu.memref_slice %arg6[%dma_wait3A_419, %dma_wait3A_420, %dma_wait3A_421] : memref<3x200x128xf32, #tpu.memory_space<vmem>> -> memref<1x200x128xf32, #tpu.memory_space<vmem>>
    %dma_wait3A_423 = tpu.memref_squeeze %dma_wait3A_422 : memref<1x200x128xf32, #tpu.memory_space<vmem>> -> memref<200x128xf32, #tpu.memory_space<vmem>>
    %dma_wait3A_424 = arith.constant 128 : i32
    %dma_wait3A_425 = arith.constant 0 : i32
    %dma_wait3A_426 = tpu.memref_slice %dma_wait3A_423[%dma_wait3A_424, %dma_wait3A_425] : memref<200x128xf32, #tpu.memory_space<vmem>> -> memref<72x128xf32, #tpu.memory_space<vmem>>
    %dma_wait3A_427 = arith.constant 0 : i32
    %dma_wait3A_428 = tpu.memref_slice %arg5[%dma_wait3A_418, %dma_wait3A_427] : memref<128x200xi32, #tpu.memory_space<vmem>> -> memref<1x200xi32, #tpu.memory_space<vmem>>
    %dma_wait3A_429 = tpu.memref_squeeze %dma_wait3A_428 : memref<1x200xi32, #tpu.memory_space<vmem>> -> memref<200xi32, #tpu.memory_space<vmem>>
    %dma_wait3A_430 = arith.constant 128 : i32
    %dma_wait3A_431 = tpu.memref_slice %dma_wait3A_429[%dma_wait3A_430] : memref<200xi32, #tpu.memory_space<vmem>> -> memref<72xi32, #tpu.memory_space<vmem>>
    %dma_wait3A_432 = arith.constant 0 : i32
    %dma_wait3A_433 = arith.constant 0 : i32
    %dma_wait3A_434 = tpu.memref_slice %arg7[%dma_wait3A_432, %dma_wait3A_433] : memref<367x128xf32, #tpu.memory_space<vmem_shared>> -> memref<367x128xf32, #tpu.memory_space<vmem_shared>>
    tpu.wait_indirect_dma semaphore(%arg8 : memref<!tpu.dma_semaphore, #tpu.memory_space<semaphore_mem>>) src(%dma_wait3A_434 : memref<367x128xf32, #tpu.memory_space<vmem_shared>>) dst(%dma_wait3A_426 : memref<72x128xf32, #tpu.memory_space<vmem>>)
    %add3A_435 = arith.constant 25400 : i32
    %add3A_436 = arith.addi %mul3A_2, %add3A_435 : i32
    %dma_start3A_437 = arith.constant 1 : i32
    %dma_start3A_438 = arith.constant 0 : i32
    %dma_start3A_439 = arith.constant 0 : i32
    %dma_start3A_440 = tpu.memref_slice %arg6[%dma_start3A_437, %dma_start3A_438, %dma_start3A_439] : memref<3x200x128xf32, #tpu.memory_space<vmem>> -> memref<1x200x128xf32, #tpu.memory_space<vmem>>
    %dma_start3A_441 = tpu.memref_squeeze %dma_start3A_440 : memref<1x200x128xf32, #tpu.memory_space<vmem>> -> memref<200x128xf32, #tpu.memory_space<vmem>>
    %dma_start3A_442 = arith.constant 0 : i32
    %dma_start3A_443 = tpu.memref_slice %arg4[%add3A_436, %dma_start3A_442] : memref<819200x128xf32, #tpu.memory_space<hbm>> -> memref<200x128xf32, #tpu.memory_space<hbm>>
    %dma_start3A_444 = arith.constant 0 : i32
    %dma_start3A_445 = tpu.memref_slice %arg4[%add3A_436, %dma_start3A_444] : memref<819200x128xf32, #tpu.memory_space<hbm>> -> memref<200x128xf32, #tpu.memory_space<hbm>>
    %dma_start3A_446 = arith.constant 0 : i32
    %dma_start3A_447 = arith.constant 0 : i32
    %dma_start3A_448 = tpu.memref_slice %arg6[%dma_start3A_437, %dma_start3A_446, %dma_start3A_447] : memref<3x200x128xf32, #tpu.memory_space<vmem>> -> memref<1x200x128xf32, #tpu.memory_space<vmem>>
    %dma_start3A_449 = tpu.memref_squeeze %dma_start3A_448 : memref<1x200x128xf32, #tpu.memory_space<vmem>> -> memref<200x128xf32, #tpu.memory_space<vmem>>
    tpu.enqueue_dma source(%dma_start3A_449 : memref<200x128xf32, #tpu.memory_space<vmem>>) target(%dma_start3A_445 : memref<200x128xf32, #tpu.memory_space<hbm>>) target_semaphore(%arg9 : memref<!tpu.dma_semaphore, #tpu.memory_space<semaphore_mem>>)
    %dma_wait3A_450 = arith.constant 0 : i32
    %dma_wait3A_451 = arith.constant 0 : i32
    %dma_wait3A_452 = arith.constant 0 : i32
    %dma_wait3A_453 = tpu.memref_slice %arg6[%dma_wait3A_450, %dma_wait3A_451, %dma_wait3A_452] : memref<3x200x128xf32, #tpu.memory_space<vmem>> -> memref<1x200x128xf32, #tpu.memory_space<vmem>>
    %dma_wait3A_454 = tpu.memref_squeeze %dma_wait3A_453 : memref<1x200x128xf32, #tpu.memory_space<vmem>> -> memref<200x128xf32, #tpu.memory_space<vmem>>
    %dma_wait3A_455 = arith.constant 0 : i32
    %dma_wait3A_456 = tpu.memref_slice %arg4[%mul3A_2, %dma_wait3A_455] : memref<819200x128xf32, #tpu.memory_space<hbm>> -> memref<200x128xf32, #tpu.memory_space<hbm>>
    %dma_wait3A_457 = arith.constant 0 : i32
    %dma_wait3A_458 = tpu.memref_slice %arg4[%mul3A_2, %dma_wait3A_457] : memref<819200x128xf32, #tpu.memory_space<hbm>> -> memref<200x128xf32, #tpu.memory_space<hbm>>
    %dma_wait3A_459 = arith.constant 0 : i32
    %dma_wait3A_460 = arith.constant 0 : i32
    %dma_wait3A_461 = tpu.memref_slice %arg6[%dma_wait3A_450, %dma_wait3A_459, %dma_wait3A_460] : memref<3x200x128xf32, #tpu.memory_space<vmem>> -> memref<1x200x128xf32, #tpu.memory_space<vmem>>
    %dma_wait3A_462 = tpu.memref_squeeze %dma_wait3A_461 : memref<1x200x128xf32, #tpu.memory_space<vmem>> -> memref<200x128xf32, #tpu.memory_space<vmem>>
    tpu.wait_dma2 semaphore(%arg9 : memref<!tpu.dma_semaphore, #tpu.memory_space<semaphore_mem>>) src(%dma_wait3A_462 : memref<200x128xf32, #tpu.memory_space<vmem>>) dst(%dma_wait3A_458 : memref<200x128xf32, #tpu.memory_space<hbm>>)
    %dma_wait3A_463 = arith.constant 0 : i32
    %dma_wait3A_464 = arith.constant 0 : i32
    %dma_wait3A_465 = arith.constant 0 : i32
    %dma_wait3A_466 = tpu.memref_slice %arg6[%dma_wait3A_463, %dma_wait3A_464, %dma_wait3A_465] : memref<3x200x128xf32, #tpu.memory_space<vmem>> -> memref<1x200x128xf32, #tpu.memory_space<vmem>>
    %dma_wait3A_467 = tpu.memref_squeeze %dma_wait3A_466 : memref<1x200x128xf32, #tpu.memory_space<vmem>> -> memref<200x128xf32, #tpu.memory_space<vmem>>
    %dma_wait3A_468 = arith.constant 0 : i32
    %dma_wait3A_469 = tpu.memref_slice %arg4[%mul3A_2, %dma_wait3A_468] : memref<819200x128xf32, #tpu.memory_space<hbm>> -> memref<200x128xf32, #tpu.memory_space<hbm>>
    %dma_wait3A_470 = arith.constant 0 : i32
    %dma_wait3A_471 = tpu.memref_slice %arg4[%mul3A_2, %dma_wait3A_470] : memref<819200x128xf32, #tpu.memory_space<hbm>> -> memref<200x128xf32, #tpu.memory_space<hbm>>
    %dma_wait3A_472 = arith.constant 0 : i32
    %dma_wait3A_473 = arith.constant 0 : i32
    %dma_wait3A_474 = tpu.memref_slice %arg6[%dma_wait3A_463, %dma_wait3A_472, %dma_wait3A_473] : memref<3x200x128xf32, #tpu.memory_space<vmem>> -> memref<1x200x128xf32, #tpu.memory_space<vmem>>
    %dma_wait3A_475 = tpu.memref_squeeze %dma_wait3A_474 : memref<1x200x128xf32, #tpu.memory_space<vmem>> -> memref<200x128xf32, #tpu.memory_space<vmem>>
    tpu.wait_dma2 semaphore(%arg9 : memref<!tpu.dma_semaphore, #tpu.memory_space<semaphore_mem>>) src(%dma_wait3A_475 : memref<200x128xf32, #tpu.memory_space<vmem>>) dst(%dma_wait3A_471 : memref<200x128xf32, #tpu.memory_space<hbm>>)
    %dma_wait3A_476 = arith.constant 0 : i32
    %dma_wait3A_477 = arith.constant 0 : i32
    %dma_wait3A_478 = arith.constant 0 : i32
    %dma_wait3A_479 = tpu.memref_slice %arg6[%dma_wait3A_476, %dma_wait3A_477, %dma_wait3A_478] : memref<3x200x128xf32, #tpu.memory_space<vmem>> -> memref<1x200x128xf32, #tpu.memory_space<vmem>>
    %dma_wait3A_480 = tpu.memref_squeeze %dma_wait3A_479 : memref<1x200x128xf32, #tpu.memory_space<vmem>> -> memref<200x128xf32, #tpu.memory_space<vmem>>
    %dma_wait3A_481 = arith.constant 0 : i32
    %dma_wait3A_482 = tpu.memref_slice %arg4[%mul3A_2, %dma_wait3A_481] : memref<819200x128xf32, #tpu.memory_space<hbm>> -> memref<200x128xf32, #tpu.memory_space<hbm>>
    %dma_wait3A_483 = arith.constant 0 : i32
    %dma_wait3A_484 = tpu.memref_slice %arg4[%mul3A_2, %dma_wait3A_483] : memref<819200x128xf32, #tpu.memory_space<hbm>> -> memref<200x128xf32, #tpu.memory_space<hbm>>
    %dma_wait3A_485 = arith.constant 0 : i32
    %dma_wait3A_486 = arith.constant 0 : i32
    %dma_wait3A_487 = tpu.memref_slice %arg6[%dma_wait3A_476, %dma_wait3A_485, %dma_wait3A_486] : memref<3x200x128xf32, #tpu.memory_space<vmem>> -> memref<1x200x128xf32, #tpu.memory_space<vmem>>
    %dma_wait3A_488 = tpu.memref_squeeze %dma_wait3A_487 : memref<1x200x128xf32, #tpu.memory_space<vmem>> -> memref<200x128xf32, #tpu.memory_space<vmem>>
    tpu.wait_dma2 semaphore(%arg9 : memref<!tpu.dma_semaphore, #tpu.memory_space<semaphore_mem>>) src(%dma_wait3A_488 : memref<200x128xf32, #tpu.memory_space<vmem>>) dst(%dma_wait3A_484 : memref<200x128xf32, #tpu.memory_space<hbm>>)
    return
  }
}

</mosaic_0001>

<sc_bundles>
// kernel: _sc_gather.3.cloned.1.call-start
scs
__scs_entry_jumppad:
0x0: {  	(pc) =	sbr.rel $0x88, $3  }
0x1: {  	(tag) =	ssettag $0x0;
	lr =	simm.s32 $0x1  }
0x2: {  	[smem:$0x3F9F] =	sst lr;
	_ =	strace $0xD0000000  }
0x3: {  	_ = 	snop  }
0x4: {  	_ = 	snop  }
0x5: {  	_ = 	snop  }
0x6: {  	_ = 	snop  }
0x7: {  	_ = 	snop  }
__scs_overlays_trampoline_lowered:
0x8: {  	[smem:$0x3FAE] =	sst s0  }
0x9: {  	[smem:$0x3FAF] =	sst s1  }
0xa: {  	[smem:$0x3FB0] =	sst s2  }
0xb: {  	[smem:$0x3FB1] =	sst s3  }
0xc: {  	[smem:$0x3FB2] =	sst s4  }
0xd: {  	[smem:$0x3FB3] =	sst s5  }
0xe: {  	[smem:$0x3FB4] =	sst s6  }
0xf: {  	[smem:$0x3FB5] =	sst s7  }
0x10: {  	[smem:$0x3FB6] =	sst s8  }
0x11: {  	[smem:$0x3FB7] =	sst s9;
	s0 =	simm.s32 @!p0 $0x0  }
0x12: {  	s1 =	sld [smem:$0x3F9D];
	s0 =	simm.s32 @p0 $0x1  }
0x13: {  	[smem:$0x3FB8] =	sst s0;
	s0 =	simm.s32 @!p1 $0x0  }
0x14: {  	s2 =	sld [smem:$0x3F9C];
	s0 =	simm.s32 @p1 $0x1  }
0x15: {  	[smem:$0x3FB9] =	sst s0;
	s0 =	simm.s32 @!p2 $0x0  }
0x16: {  	s3 =	sld [smem:$0x3FDB];
	s0 =	simm.s32 @p2 $0x1  }
0x17: {  	s4 =	simm.s32 $0x1BF5;
	[smem:$0x3FBB] =	sst s0  }
0x18: {  	s0 =	sld [smem:$0x3F9E];
	_ =	swait.ge [sflag:s4], $0x0  }
0x19: {  	s7 =	sld [smem:$0x3F9F]  }
0x1a: {  	s8 =	sadd.s32 $0xFFFFE003, lr  }
0x1b: {  	s9 =	sadd.s32 $0xFFFFFEF7, lr;
	s5 =	simm.s32 $0xFFFFFFFF;
	p2 =	slt.u32 s8, $0xFFFFF086  }
0x1c: {  	p1 =	slt.u32 s9, $0xF7A;
	s5 =	simm.s32 @!p2 $0x0  }
0x1d: {  	s5 =	simm.s32 @p1 $0x1;
	p0 =	seq.s32 s7, s2  }
0x1e: {  	s7 =	smul.u32 @!p0 $0xF7A, s2;
	p2 =	seq.s32 @!p0 s5, $0x0  }
0x1f: {  	s9 =	smul.u32 $0xF7A, s1;
	s8 =	simm.s32 @!p0 $0x1BF5;
	p2 =	por !p2, p0  }
0x20: {  	[sflag:s8] =	ssyncset.s32 @!p0 $0xFFFFF086;
	s6 =	sadd.s32 @!p0 s3, s7;
	s7 =	simm.s32 @!p0 $0x108  }
0x21: {  	s3 =	sadd.s32 s3, s9;
	s6 =	sadd.s32 @!p0 $0x88, s6;
	s7 =	simm.s32 @p2 $0x1082  }
0x22: {  	[simem:s7], [sflag:s8] =	dma.local @!p0 [hbm:s6], $0xF7A  }
0x23: {  	s9 =	sor.u32 $0xD0000000, s2;
	s6 =	simm.s32 $0x108;
	_ =	swait.ge @!p0 [sflag:s8], $0x0  }
0x24: {  	s3 =	sadd.s32 $0x88, s3;
	s6 =	simm.s32 @!p1 $0x1082;
	[sflag:s4] =	ssyncset.s32 $0xFFFFF086  }
0x25: {  	[simem:s6], [sflag:s4] =	dma.local [hbm:s3], $0xF7A  }
0x26: {  	[smem:$0x3F9F] =	sst s1;
	(tag) =	ssettag s2;
	_ =	strace s9  }
0x27: {  	s1 =	sld [smem:$0x3FAF]  }
0x28: {  	s2 =	sld [smem:$0x3FB0]  }
0x29: {  	s4 =	sld [smem:$0x3FB2]  }
0x2a: {  	p0 =	seq.s32 s5, $0x0;
	s5 =	sld [smem:$0x3FB3]  }
0x2b: {  	s6 =	sld [smem:$0x3FB4]  }
0x2c: {  	s7 =	sld [smem:$0x3FB5]  }
0x2d: {  	s3 =	simm.s32 $0x108;
	s8 =	sld [smem:$0x3FB6]  }
0x2e: {  	s3 =	simm.s32 @!p0 $0x1082;
	s9 =	sld [smem:$0x3FB7]  }
0x2f: {  	lr =	sadd.s32 s0, s3;
	s0 =	sld [smem:$0x3FAE]  }
0x30: {  	s3 =	sld [smem:$0x3FB1]  }
0x31: {  	[smem:$0x3FBA] =	sst s10  }
0x32: {  	s10 =	sld [smem:$0x3FB8];
	_ =	sdelay $0x3  }
0x33: {  	p0 =	seq.s32 s10, $0x1;
	s10 =	sld [smem:$0x3FBA];
	_ =	sdelay $0x3  }
0x34: {  	[smem:$0x3FBA] =	sst s10  }
0x35: {  	s10 =	sld [smem:$0x3FB9];
	_ =	sdelay $0x3  }
0x36: {  	p1 =	seq.s32 s10, $0x1;
	s10 =	sld [smem:$0x3FBA];
	_ =	sdelay $0x3  }
0x37: {  	[smem:$0x3FBA] =	sst s10  }
0x38: {  	s10 =	sld [smem:$0x3FBB]  }
0x39: {  	_ = 	snop;
	(pc) =	sbr.ind lr, $3  }
0x3a: {  	_ = 	snop  }
0x3b: {  	_ = 	snop  }
0x3c: {  	p2 =	seq.s32 s10, $0x1;
	s10 =	sld [smem:$0x3FBA]  }
0x3d: {  	_ =	shalt  }
0x3e: {  	_ =	shalt  }
0x3f: {  	_ =	shalt  }
0x40: {  	_ =	shalt  }
0x41: {  	_ =	shalt  }
0x42: {  	_ =	shalt  }
0x43: {  	_ =	shalt  }
0x44: {  	_ =	shalt  }
0x45: {  	_ =	shalt  }
0x46: {  	_ =	shalt  }
0x47: {  	_ =	shalt  }
0x48: {  	_ =	shalt  }
0x49: {  	_ =	shalt  }
0x4a: {  	_ =	shalt  }
0x4b: {  	_ =	shalt  }
0x4c: {  	_ =	shalt  }
0x4d: {  	_ =	shalt  }
0x4e: {  	_ =	shalt  }
0x4f: {  	_ =	shalt  }
0x50: {  	_ =	shalt  }
0x51: {  	_ =	shalt  }
0x52: {  	_ =	shalt  }
0x53: {  	_ =	shalt  }
0x54: {  	_ =	shalt  }
0x55: {  	_ =	shalt  }
0x56: {  	_ =	shalt  }
0x57: {  	_ =	shalt  }
0x58: {  	_ =	shalt  }
0x59: {  	_ =	shalt  }
0x5a: {  	_ =	shalt  }
0x5b: {  	_ =	shalt  }
0x5c: {  	_ =	shalt  }
0x5d: {  	_ =	shalt  }
0x5e: {  	_ =	shalt  }
0x5f: {  	_ =	shalt  }
0x60: {  	_ =	shalt  }
0x61: {  	_ =	shalt  }
0x62: {  	_ =	shalt  }
0x63: {  	_ =	shalt  }
0x64: {  	_ =	shalt  }
0x65: {  	_ =	shalt  }
0x66: {  	_ =	shalt  }
0x67: {  	_ =	shalt  }
0x68: {  	_ =	shalt  }
0x69: {  	_ =	shalt  }
0x6a: {  	_ =	shalt  }
0x6b: {  	_ =	shalt  }
0x6c: {  	_ =	shalt  }
0x6d: {  	_ =	shalt  }
0x6e: {  	_ =	shalt  }
0x6f: {  	_ =	shalt  }
0x70: {  	_ =	shalt  }
0x71: {  	_ =	shalt  }
0x72: {  	_ =	shalt  }
0x73: {  	_ =	shalt  }
0x74: {  	_ =	shalt  }
0x75: {  	_ =	shalt  }
0x76: {  	_ =	shalt  }
0x77: {  	_ =	shalt  }
0x78: {  	_ =	shalt  }
0x79: {  	_ =	shalt  }
0x7a: {  	_ =	shalt  }
0x7b: {  	_ =	shalt  }
0x7c: {  	_ =	shalt  }
0x7d: {  	_ =	shalt  }
0x7e: {  	_ =	shalt  }
0x7f: {  	_ =	shalt  }
0x80: {  	_ =	shalt  }
0x81: {  	_ =	shalt  }
0x82: {  	_ =	shalt  }
0x83: {  	_ =	shalt  }
0x84: {  	_ =	shalt  }
0x85: {  	_ =	shalt  }
0x86: {  	_ =	shalt  }
0x87: {  	_ =	shalt  }
.Lfunc_end0:
.L_simem_size_0:
called_computation_lowered:
.L_overlay_start_0:
0x88: {  	s2 =	sld [smem:$0x3FD9]  }
0x89: {  	s3 =	sld [smem:$0x3FFE];
	_ =	sdelay $0x1  }
0x8a: {  	s1 =	srdreg.scid  }
0x8b: {  	s0 =	sand.u32 $0x1, s1  }
0x8c: {  	s17 =	sshll.u32 s0, $0xA;
	s2 =	sadd.s32 s3, s2  }
0x8d: {  	s2 =	sadd.s32 s2, s17  }
0x8e: {  	[smem:$0x3FC6] =	sst s2  }
0x8f: {  	_ = 	snop  }
0x90: {  	s2 =	sld [smem:$0x3FC8]  }
0x91: {  	s18 =	sld [smem:$0x3FD0];
	(tm) =	ssettm $0x1  }
0x92: {  	s4 =	sld [smem:$0x3FFB];
	_ =	sdelay $0x3  }
0x93: {  	_ =	strace s4  }
0x94: {  	s4 =	sld [smem:$0x3FFC];
	_ =	sdelay $0x3  }
0x95: {  	_ =	strace s4  }
0x96: {  	s4 =	sld [smem:$0x3FFD];
	_ =	sdelay $0x3  }
0x97: {  	_ =	strace s4  }
0x98: {  	_ =	strace $0x8FFFFFFF  }
0x99: {  	s19 =	sld [smem:$0x3FDB];
	_ =	sdelay $0x1  }
0x9a: {  	s5 =	simm.s32 $_scs_section_size  }
0x9b: {  	s6 =	simm.s32 $_size__tile_overlayer_lowered;
	s7 =	simm.s32 $_tile_overlayer_lowered  }
0x9c: {  	s22 =	simm.s32 $0x1BFF;
	s21 =	sshll.u32 s7, $0x1;
	s4 =	sadd.s32 s5, s19  }
0x9d: {  	s8 =	simm.s32 $0x0;
	s20 =	sshll.u32 s6, $0x1;
	s6 =	sadd.s32 s21, s4  }
0x9e: {  	[timem:s8], [sflag:s22] =	dma.local [hbm:s6], s20  }
0x9f: {  	_ =	swait.ge [sflag:s22], s20  }
0xa0: {  	s5 =	ssub.s32 $0x0, s20;
	[sflag:s22] =	ssyncset.done $0x0  }
0xa1: {  	[sflag:s22] =	ssyncadd.s32 s5;
	_ =	sdelay $0x1  }
0xa2: {  	s23 =	simm.s32 $0x1B8B  }
0xa3: {  	_ =	swait.ge [sflag:s23], $0x1  }
0xa4: {  	[sflag:s23] =	ssyncset.done $0x0  }
0xa5: {  	s25 =	simm.s32 $0x1B8E;
	s24 =	sld [smem:$0x3FFE];
	[sflag:s23] =	ssyncadd.s32 $0xFFFFFFFF  }
0xa6: {  	s26 =	simm.s32 $execute0_lowered;
	[smem:$0x3FD2] =	sst s25  }
0xa7: {  	s6 =	sshll.u32 s26, $0x1;
	_ =	strace $0x80000046;
	[dreg:$0x1] =	wrdreg $0xFFFFFFFF  }
0xa8: {  	s28 =	simm.s32 $_size_execute0_lowered;
	s4 =	sadd.s32 s4, s6;
	[dreg:$0x0] =	wrdreg $0x0  }
0xa9: {  	s6 =	sshll.u32 s28, $0x1;
	[dreg:$0x2] =	wrdreg s4  }
0xaa: {  	[dreg:$0x3] =	wrdreg s6  }
0xab: {  	[dreg:$0x4] =	wrdreg $0xC0  }
0xac: {  	_ =	task [dreg:s8], $0x5FFFF  }
0xad: {  	[dreg:$0x1] =	wrdreg $0xFFFFFFFF  }
0xae: {  	[dreg:$0x0] =	wrdreg $0x60  }
0xaf: {  	[dreg:$0x2] =	wrdreg s24  }
0xb0: {  	[dreg:$0x3] =	wrdreg s2  }
0xb1: {  	[dreg:$0x4] =	wrdreg s18  }
0xb2: {  	[dreg:$0x5] =	wrdreg $0x1AC000  }
0xb3: {  	[dreg:$0x6] =	wrdreg $0x9  }
0xb4: {  	_ =	task.clear_ibuf [dreg:s8], $0x7FFFF;
	_ =	strace $0x90000046  }
0xb5: {  	s29 =	simm.s32 $0x9;
	_ =	strace $0x80000048  }
0xb6: {  	_ =	swait.ge [sflag:s29], $0x1  }
0xb7: {  	[sflag:s29] =	ssyncadd.s32 $0xFFFFFFFF  }
0xb8: {  	_ =	strace $0x90000048  }
0xb9: {  	_ =	sfence  }
0xba: {  	s30 =	sld [smem:$0x0];
	_ =	sdelay $0x2  }
0xbb: {  	s31 =	sshll.u32 s1, $0xD;
	s1 =	sshrl.u32 s1, $0x2  }
0xbc: {  	s3 =	sand.u32 $0x4000, s31;
	s1 =	sadd.s32 s1, s30  }
0xbd: {  	s0 =	sor.u32 s3, s0;
	s1 =	sshll.u32 s1, $0x11  }
0xbe: {  	s0 =	sor.u32 s1, s0  }
0xbf: {  	s0 =	sadd.s32 $0x8F2B, s0  }
0xc0: {  	[sflag:s0] =	ssyncadd.remote.s32 $0x1  }
0xc1: {  	_ =	sfence.sel $0xFFFF  }
0xc2: {  	[dreg:$0x0] =	wrdreg $0xFFFFFFFF;
	(pc) =	sbr.abs _section_cstart, $3  }
0xc3: {  	[dreg:$0x1] =	wrdreg $0xFFFFFFFF  }
0xc4: {  	_ =	task.clear_ibuf [dreg:s8], $0x2FFFF;
	_ =	strace $0x9FFFFFFF  }
0xc5: {  	(tm) =	ssettm $0x7FFFFFFF  }
tec
execute0_lowered:
.L_overlay_start_1:
0x0: {  	(tag) =	ssettag $0x1  }
0x1: {  	s0 =	rddreg [dreg:$0x0]  }
0x2: {  	s1 =	rddreg [dreg:$0x2]  }
0x3: {  	s2 =	rddreg [dreg:$0x3]  }
0x4: {  	s3 =	simm.s32 $0x0;
	s4 =	srdreg.scid;
	s11 =	stileid.u32  }
0x5: {  	s14 =	simm.s32 $0x80;
	s15 =	simm.s32 $0x8000;
	s16 =	simm.s32 $0x48  }
0x6: {  	s18 =	simm.s32 $0xC000;
	s19 =	simm.s32 $0xE400;
	s21 =	simm.s32 $0x12400  }
0x7: {  	s23 =	simm.s32 $0x14800;
	s24 =	simm.s32 $0x18800;
	s30 =	simm.s32 $0x7B80  }
0x8: {  	s31 =	simm.s32 $0x7F80;
	[smem:$0x7FF] =	sst s3;
	s8 =	sand.u32 $0x1, s4  }
0x9: {  	s25 =	sshll.u32 s11, $0x1;
	s12 =	smul.u32 $0xC8000, s11;
	p0 =	sne.s32 s11, $0x0  }
0xa: {  	_ =	strace $0x80000047;
	s4 =	sor.u32 s8, s25;
	s13 =	smul.u32 $0x64000, s8  }
0xb: {  	s6 =	ssub.s32 $0x2, s8;
	s25 =	simm.s32 $0x1;
	s7 =	smul.u32 $0x320000, s4  }
0xc: {  	s5 =	sshll.u32 s4, $0xC;
	s26 =	sshrl.u32 s6, $0x1;
	s9 =	smul.u32 $0x64000, s4  }
0xd: {  	s29 =	sadd.s32 s12, s1;
	s12 =	sshrl.u32 @!p0 s2, $0x3;
	s0 =	sadd.s32 s5, s0  }
0xe: {  	s10 =	ssub.s32 s6, s26;
	s26 =	simm.s32 $0x2;
	s28 =	sshrl.u32 s7, $0x3  }
0xf: {  	s4 =	sadd.s32 $0x400, s0;
	s5 =	sadd.s32 s1, s9;
	s0 =	sadd.s32 s1, s28  }
0x10: {  	s10 =	smax.u32 s10, $0x1;
	s6 =	sadd.s32 $0xC80, s5;
	s7 =	sadd.s32 $0x61A80, s0  }
0x11: {  	s8 =	sadd.s32 $0x62700, s0;
	s9 =	sadd.s32 $0x63380, s0;
	s0 =	sadd.s32 s13, s29  }
0x12: {  	s13 =	simm.s32 $0x3;
	s11 =	sadd.s32 $0x1900, s0;
	s0 =	simm.s32 $0x0  }
.LBB2_1:
0x13: {  	s1 =	simm.s32 @!p0 $0x1C03;
	s17 =	rddreg [dreg:$0x1]  }
0x14: {  	[spmem:s12], [sflag:s1] =	dma.local @!p0 [hbm:s17], $0x16F0  }
0x15: {  	s1 =	simm.s32 @!p0 $0x3  }
0x16: {  	_ =	swait.ge @!p0 [sflag:s1], $0x16F0  }
0x17: {  	[sflag:s1] =	ssyncset.done @!p0 $0x0  }
0x18: {  	[sflag:s1] =	ssyncadd.s32 @!p0 $0xFFFFE910  }
0x19: {  	[tilespmem:s3], [sflag:$0x3] =	stream.linear.gather [hbm4b:s4+s3], $0x8000, $0x38;
	[tilespmem:$0x1B778] =	vst v63  }
0x1a: {  	_ =	swait.ge [sflag:s13], $0x8000  }
0x1b: {  	[sflag:s13] =	ssyncset.done $0x0  }
0x1c: {  	[sflag:s13] =	ssyncadd.s32 $0xFFFF8000  }
0x1d: {  	[bflag:$0x0] =	sbarrier.arrive $0xFFFF  }
0x1e: {  	[tilespmem:s15], [sflag:$0x1] =	stream.indirect.gather [spmem:s2], $0x80, s3, s14, $0xb8;
	[tilespmem:$0x1B778] =	vst v63  }
0x1f: {  	s17 =	simm.s32 $0x400  }
0x20: {  	[tilespmem:s18], [sflag:$0x1] =	stream.indirect.gather [spmem:s2], $0x80, s17, s16, $0xb8;
	[tilespmem:$0x1B778] =	vst v63  }
0x21: {  	_ = 	snop  }
0x22: {  	[tilespmem:s19], [sflag:$0x1] =	stream.indirect.gather [spmem:s2], $0x80, s14, s14, $0xb8;
	[tilespmem:$0x1B778] =	vst v63  }
0x23: {  	s20 =	simm.s32 $0x480  }
0x24: {  	[tilespmem:s21], [sflag:$0x1] =	stream.indirect.gather [spmem:s2], $0x80, s20, s16, $0xb8;
	[tilespmem:$0x1B778] =	vst v63  }
0x25: {  	s22 =	simm.s32 $0x100  }
0x26: {  	[tilespmem:s23], [sflag:$0x1] =	stream.indirect.gather [spmem:s2], $0x80, s22, s14, $0xb8;
	[tilespmem:$0x1B778] =	vst v63  }
0x27: {  	s1 =	simm.s32 $0x500  }
0x28: {  	[tilespmem:s24], [sflag:$0x1] =	stream.indirect.gather [spmem:s2], $0x80, s1, s16, $0xb8;
	[tilespmem:$0x1B778] =	vst v63  }
0x29: {  	_ =	swait.ge [sflag:s25], $0x4000  }
0x2a: {  	[sflag:s25] =	ssyncset.done $0x0  }
0x2b: {  	[sflag:s25] =	ssyncadd.s32 $0xFFFFC000  }
0x2c: {  	_ =	swait.ge [sflag:s25], $0x2400  }
0x2d: {  	[sflag:s25] =	ssyncset.done $0x0  }
0x2e: {  	[sflag:s25] =	ssyncadd.s32 $0xFFFFDC00  }
0x2f: {  	[hbm4b:s5+s3] =	stream.linear.scatter [tilespmem:s15], [sflag:$0x2], $0x6400, $0x38;
	[tilespmem:$0x1B778] =	vst v63  }
0x30: {  	_ =	swait.ge [sflag:s25], $0x4000  }
0x31: {  	[sflag:s25] =	ssyncset.done $0x0  }
0x32: {  	[sflag:s25] =	ssyncadd.s32 $0xFFFFC000  }
0x33: {  	_ =	swait.ge [sflag:s25], $0x2400  }
0x34: {  	[sflag:s25] =	ssyncset.done $0x0  }
0x35: {  	[sflag:s25] =	ssyncadd.s32 $0xFFFFDC00  }
0x36: {  	[hbm4b:s6+s3] =	stream.linear.scatter [tilespmem:s19], [sflag:$0x2], $0x6400, $0x38;
	[tilespmem:$0x1B778] =	vst v63  }
0x37: {  	_ =	swait.ge [sflag:s25], $0x4000  }
0x38: {  	[sflag:s25] =	ssyncset.done $0x0  }
0x39: {  	[sflag:s25] =	ssyncadd.s32 $0xFFFFC000  }
0x3a: {  	_ =	swait.ge [sflag:s25], $0x2400  }
0x3b: {  	[sflag:s25] =	ssyncset.done $0x0  }
0x3c: {  	[sflag:s25] =	ssyncadd.s32 $0xFFFFDC00  }
0x3d: {  	[hbm4b:s11+s3] =	stream.linear.scatter [tilespmem:s23], [sflag:$0x2], $0x6400, $0x38;
	[tilespmem:$0x1B778] =	vst v63  }
0x3e: {  	s28 =	simm.s32 $0x300;
	s20 =	simm.s32 $0x180;
	_ =	swait.ge [sflag:s26], $0x6400  }
0x3f: {  	s17 =	sand.u32 $0x1F800, s28;
	s20 =	sand.u32 $0x380, s20;
	[sflag:s26] =	ssyncset.done $0x0  }
0x40: {  	s17 =	sor.u32 s20, s17;
	[sflag:s26] =	ssyncadd.s32 $0xFFFF9C00  }
0x41: {  	[tilespmem:s15], [sflag:$0x1] =	stream.indirect.gather [spmem:s2], $0x80, s17, s14, $0xb8;
	[tilespmem:$0x1B778] =	vst v63  }
0x42: {  	s17 =	sor.u32 $0x400, s17  }
0x43: {  	[tilespmem:s18], [sflag:$0x1] =	stream.indirect.gather [spmem:s2], $0x80, s17, s16, $0xb8;
	[tilespmem:$0x1B778] =	vst v63  }
0x44: {  	_ =	swait.ge [sflag:s25], $0x4000  }
0x45: {  	[sflag:s25] =	ssyncset.done $0x0  }
0x46: {  	[sflag:s25] =	ssyncadd.s32 $0xFFFFC000  }
0x47: {  	_ =	swait.ge [sflag:s25], $0x2400  }
0x48: {  	[sflag:s25] =	ssyncset.done $0x0  }
0x49: {  	s29 =	sadd.s32 $0xC80, s11;
	[sflag:s25] =	ssyncadd.s32 $0xFFFFDC00  }
0x4a: {  	[hbm4b:s29+s3] =	stream.linear.scatter [tilespmem:s15], [sflag:$0x2], $0x6400, $0x38;
	[tilespmem:$0x1B778] =	vst v63  }
0x4b: {  	s20 =	simm.s32 $0x400;
	s22 =	simm.s32 $0x200;
	_ =	swait.ge [sflag:s26], $0x6400  }
0x4c: {  	s17 =	sand.u32 $0x1F800, s20;
	s20 =	sand.u32 $0x380, s22;
	[sflag:s26] =	ssyncset.done $0x0  }
0x4d: {  	s17 =	sor.u32 s20, s17;
	[sflag:s26] =	ssyncadd.s32 $0xFFFF9C00  }
0x4e: {  	[tilespmem:s19], [sflag:$0x1] =	stream.indirect.gather [spmem:s2], $0x80, s17, s14, $0xb8;
	[tilespmem:$0x1B778] =	vst v63  }
0x4f: {  	s17 =	sor.u32 $0x400, s17  }
0x50: {  	[tilespmem:s21], [sflag:$0x1] =	stream.indirect.gather [spmem:s2], $0x80, s17, s16, $0xb8;
	[tilespmem:$0x1B778] =	vst v63  }
0x51: {  	_ =	swait.ge [sflag:s25], $0x4000  }
0x52: {  	[sflag:s25] =	ssyncset.done $0x0  }
0x53: {  	[sflag:s25] =	ssyncadd.s32 $0xFFFFC000  }
0x54: {  	_ =	swait.ge [sflag:s25], $0x2400  }
0x55: {  	[sflag:s25] =	ssyncset.done $0x0  }
0x56: {  	s28 =	sadd.s32 $0x1900, s11;
	[sflag:s25] =	ssyncadd.s32 $0xFFFFDC00  }
0x57: {  	[hbm4b:s28+s3] =	stream.linear.scatter [tilespmem:s19], [sflag:$0x2], $0x6400, $0x38;
	[tilespmem:$0x1B778] =	vst v63  }
0x58: {  	s29 =	simm.s32 $0x280;
	_ =	swait.ge [sflag:s26], $0x6400  }
0x59: {  	s1 =	sand.u32 $0x1F800, s1;
	s17 =	sand.u32 $0x380, s29;
	[sflag:s26] =	ssyncset.done $0x0  }
0x5a: {  	s20 =	simm.s32 $0x800;
	s17 =	sor.u32 s17, s1;
	[sflag:s26] =	ssyncadd.s32 $0xFFFF9C00  }
0x5b: {  	[tilespmem:s23], [sflag:$0x1] =	stream.indirect.gather [spmem:s2], $0x80, s17, s14, $0xb8;
	[tilespmem:$0x1B778] =	vst v63  }
0x5c: {  	s1 =	simm.s32 $0x400;
	s22 =	sor.u32 $0x400, s17;
	s17 =	sadd.s32 $0x2580, s11  }
.LBB2_2:
0x5d: {  	[tilespmem:s24], [sflag:$0x1] =	stream.indirect.gather [spmem:s2], $0x80, s22, s16, $0xb8;
	[tilespmem:$0x1B778] =	vst v63  }
0x5e: {  	s22 =	smov.u32 s1  }
0x5f: {  	p1 =	sne.s32 s1, $0x3E80;
	s1 =	sadd.s32 $0x180, s1;
	_ =	swait.ge [sflag:s25], $0x4000  }
0x60: {  	[sflag:s25] =	ssyncset.done $0x0  }
0x61: {  	[sflag:s25] =	ssyncadd.s32 $0xFFFFC000  }
0x62: {  	_ =	swait.ge [sflag:s25], $0x2400  }
0x63: {  	[sflag:s25] =	ssyncset.done $0x0  }
0x64: {  	[sflag:s25] =	ssyncadd.s32 $0xFFFFDC00  }
0x65: {  	[hbm4b:s17+s3] =	stream.linear.scatter [tilespmem:s23], [sflag:$0x2], $0x6400, $0x38;
	[tilespmem:$0x1B778] =	vst v63  }
0x66: {  	s28 =	sadd.s32 $0xFFFFFE00, s20;
	s29 =	sadd.s32 $0xFFFFFF00, s22;
	_ =	swait.ge [sflag:s26], $0x6400  }
0x67: {  	s28 =	sand.u32 $0x1F800, s28;
	s29 =	sand.u32 $0x380, s29;
	[sflag:s26] =	ssyncset.done $0x0  }
0x68: {  	s28 =	sor.u32 s29, s28;
	[sflag:s26] =	ssyncadd.s32 $0xFFFF9C00  }
0x69: {  	[tilespmem:s15], [sflag:$0x1] =	stream.indirect.gather [spmem:s2], $0x80, s28, s14, $0xb8;
	[tilespmem:$0x1B778] =	vst v63  }
0x6a: {  	s28 =	sor.u32 $0x400, s28  }
0x6b: {  	[tilespmem:s18], [sflag:$0x1] =	stream.indirect.gather [spmem:s2], $0x80, s28, s16, $0xb8;
	[tilespmem:$0x1B778] =	vst v63  }
0x6c: {  	_ =	swait.ge [sflag:s25], $0x4000  }
0x6d: {  	[sflag:s25] =	ssyncset.done $0x0  }
0x6e: {  	[sflag:s25] =	ssyncadd.s32 $0xFFFFC000  }
0x6f: {  	_ =	swait.ge [sflag:s25], $0x2400  }
0x70: {  	[sflag:s25] =	ssyncset.done $0x0  }
0x71: {  	s28 =	sadd.s32 $0xC80, s17;
	[sflag:s25] =	ssyncadd.s32 $0xFFFFDC00  }
0x72: {  	[hbm4b:s28+s3] =	stream.linear.scatter [tilespmem:s15], [sflag:$0x2], $0x6400, $0x38;
	[tilespmem:$0x1B778] =	vst v63  }
0x73: {  	s29 =	sadd.s32 $0xFFFFFF80, s22;
	s28 =	sadd.s32 $0xFFFFFF00, s20;
	_ =	swait.ge [sflag:s26], $0x6400  }
0x74: {  	s29 =	sand.u32 $0x380, s29;
	s28 =	sand.u32 $0x1F800, s28;
	[sflag:s26] =	ssyncset.done $0x0  }
0x75: {  	s28 =	sor.u32 s29, s28;
	[sflag:s26] =	ssyncadd.s32 $0xFFFF9C00  }
0x76: {  	[tilespmem:s19], [sflag:$0x1] =	stream.indirect.gather [spmem:s2], $0x80, s28, s14, $0xb8;
	[tilespmem:$0x1B778] =	vst v63  }
0x77: {  	s28 =	sor.u32 $0x400, s28  }
0x78: {  	[tilespmem:s21], [sflag:$0x1] =	stream.indirect.gather [spmem:s2], $0x80, s28, s16, $0xb8;
	[tilespmem:$0x1B778] =	vst v63  }
0x79: {  	_ =	swait.ge [sflag:s25], $0x4000  }
0x7a: {  	[sflag:s25] =	ssyncset.done $0x0  }
0x7b: {  	[sflag:s25] =	ssyncadd.s32 $0xFFFFC000  }
0x7c: {  	_ =	swait.ge [sflag:s25], $0x2400  }
0x7d: {  	[sflag:s25] =	ssyncset.done $0x0  }
0x7e: {  	s28 =	sadd.s32 $0x1900, s17;
	[sflag:s25] =	ssyncadd.s32 $0xFFFFDC00  }
0x7f: {  	[hbm4b:s28+s3] =	stream.linear.scatter [tilespmem:s19], [sflag:$0x2], $0x6400, $0x38;
	[tilespmem:$0x1B778] =	vst v63  }
.Ltmp0:
0x80: {  	_ =	swait.ge [sflag:s26], $0x6400;
	(pc) =	sbr.rel @p1 .LBB2_2-.Ltmp0, $4  }
0x81: {  	s22 =	sand.u32 $0x380, s22;
	s28 =	sand.u32 $0x1F800, s20;
	[sflag:s26] =	ssyncset.done $0x0  }
0x82: {  	s22 =	sor.u32 s22, s28;
	[sflag:s26] =	ssyncadd.s32 $0xFFFF9C00  }
0x83: {  	[tilespmem:s23], [sflag:$0x1] =	stream.indirect.gather [spmem:s2], $0x80, s22, s14, $0xb8;
	[tilespmem:$0x1B778] =	vst v63  }
0x84: {  	s17 =	sadd.s32 $0x2580, s17;
	s20 =	sadd.s32 $0x300, s20;
	s22 =	sor.u32 $0x400, s22  }
0x85: {  	[tilespmem:s24], [sflag:$0x1] =	stream.indirect.gather [spmem:s2], $0x80, s22, s16, $0xb8;
	[tilespmem:$0x1B778] =	vst v63  }
0x86: {  	_ =	swait.ge [sflag:s25], $0x4000  }
0x87: {  	[sflag:s25] =	ssyncset.done $0x0  }
0x88: {  	[sflag:s25] =	ssyncadd.s32 $0xFFFFC000  }
0x89: {  	_ =	swait.ge [sflag:s25], $0x2400  }
0x8a: {  	[sflag:s25] =	ssyncset.done $0x0  }
0x8b: {  	[sflag:s25] =	ssyncadd.s32 $0xFFFFDC00  }
0x8c: {  	[hbm4b:s7+s3] =	stream.linear.scatter [tilespmem:s23], [sflag:$0x2], $0x6400, $0x38;
	[tilespmem:$0x1B778] =	vst v63  }
0x8d: {  	_ =	swait.ge [sflag:s26], $0x6400  }
0x8e: {  	[sflag:s26] =	ssyncset.done $0x0  }
0x8f: {  	s1 =	simm.s32 $0x7B00;
	[sflag:s26] =	ssyncadd.s32 $0xFFFF9C00  }
0x90: {  	[tilespmem:s15], [sflag:$0x1] =	stream.indirect.gather [spmem:s2], $0x80, s1, s14, $0xb8;
	[tilespmem:$0x1B778] =	vst v63  }
0x91: {  	s29 =	simm.s32 $0x7F00  }
0x92: {  	[tilespmem:s18], [sflag:$0x1] =	stream.indirect.gather [spmem:s2], $0x80, s29, s16, $0xb8;
	[tilespmem:$0x1B778] =	vst v63  }
0x93: {  	_ =	swait.ge [sflag:s25], $0x4000  }
0x94: {  	[sflag:s25] =	ssyncset.done $0x0  }
0x95: {  	[sflag:s25] =	ssyncadd.s32 $0xFFFFC000  }
0x96: {  	_ =	swait.ge [sflag:s25], $0x2400  }
0x97: {  	[sflag:s25] =	ssyncset.done $0x0  }
0x98: {  	[sflag:s25] =	ssyncadd.s32 $0xFFFFDC00  }
0x99: {  	[hbm4b:s8+s3] =	stream.linear.scatter [tilespmem:s15], [sflag:$0x2], $0x6400, $0x38;
	[tilespmem:$0x1B778] =	vst v63  }
0x9a: {  	_ =	swait.ge [sflag:s26], $0x6400  }
0x9b: {  	[sflag:s26] =	ssyncset.done $0x0  }
0x9c: {  	[sflag:s26] =	ssyncadd.s32 $0xFFFF9C00  }
0x9d: {  	[tilespmem:s19], [sflag:$0x1] =	stream.indirect.gather [spmem:s2], $0x80, s30, s14, $0xb8;
	[tilespmem:$0x1B778] =	vst v63  }
0x9e: {  	_ = 	snop  }
0x9f: {  	[tilespmem:s21], [sflag:$0x1] =	stream.indirect.gather [spmem:s2], $0x80, s31, s16, $0xb8;
	[tilespmem:$0x1B778] =	vst v63  }
0xa0: {  	_ =	swait.ge [sflag:s25], $0x4000  }
0xa1: {  	[sflag:s25] =	ssyncset.done $0x0  }
0xa2: {  	[sflag:s25] =	ssyncadd.s32 $0xFFFFC000  }
0xa3: {  	_ =	swait.ge [sflag:s25], $0x2400  }
0xa4: {  	[sflag:s25] =	ssyncset.done $0x0  }
0xa5: {  	[sflag:s25] =	ssyncadd.s32 $0xFFFFDC00  }
0xa6: {  	[hbm4b:s9+s3] =	stream.linear.scatter [tilespmem:s19], [sflag:$0x2], $0x6400, $0x38;
	[tilespmem:$0x1B778] =	vst v63  }
0xa7: {  	_ =	swait.ge [sflag:s26], $0x6400  }
0xa8: {  	[sflag:s26] =	ssyncset.done $0x0  }
0xa9: {  	s0 =	sadd.s32 $0x1, s0;
	[sflag:s26] =	ssyncadd.s32 $0xFFFF9C00  }
0xaa: {  	p1 =	sne.s32 s0, s10;
	_ =	swait.ge [sflag:s26], $0x6400  }
.Ltmp1:
0xab: {  	[sflag:s26] =	ssyncset.done $0x0;
	(pc) =	sbr.rel @p1 .LBB2_1-.Ltmp1, $4  }
0xac: {  	[sflag:s26] =	ssyncadd.s32 $0xFFFF9C00  }
0xad: {  	_ =	swait.ge [sflag:s26], $0x6400  }
0xae: {  	[sflag:s26] =	ssyncset.done $0x0  }
0xaf: {  	[sflag:s26] =	ssyncadd.s32 $0xFFFF9C00  }
0xb0: {  	_ =	sfence.sel $0x180000  }
0xb1: {  	[bflag:$0x0] =	sbarrier.arrive $0xFFFF  }
0xb2: {  	_ =	strace $0x90000047  }
0xb3: {  	[bflag:$0x2] =	sbarrier.arrive $0xFFFF  }
0xb4: {  	s0 =	rddreg [dreg:$0x4]  }
0xb5: {  	s0 =	sadd.s32 @!p0 $0x100000, s0  }
0xb6: {  	[sflag:s0] =	ssyncadd.tile.s32 @!p0 $0x1;
	_ =	shalt  }
.Lfunc_end2:
_tile_overlayer_lowered:
.L_overlay_start_2:
0xb7: {  	(tag) =	ssettag $0x2  }
0xb8: {  	s0 =	rddreg [dreg:$0x0];
	s2 =	stileid.u32  }
0xb9: {  	s1 =	rddreg [dreg:$0x1];
	p0 =	sne.s32 s2, $0x0  }
0xba: {  	s3 =	rddreg [dreg:$0x2];
	[bflag:$0x3] =	sbarrier.arrive $0xFFFF;
	s2 =	simm.s32 @!p0 $0x1C03  }
0xbb: {  	[timem:s3], [sflag:s2] =	dma.local @!p0 [hbm:s0], s1  }
0xbc: {  	s0 =	simm.s32 @!p0 $0x3  }
0xbd: {  	_ =	swait.ge @!p0 [sflag:s0], s1  }
0xbe: {  	s1 =	ssub.s32 @!p0 $0x0, s1;
	[sflag:s0] =	ssyncset.done @!p0 $0x0  }
0xbf: {  	[sflag:s0] =	ssyncadd.s32 @!p0 s1  }
0xc0: {  	[bflag:$0x3] =	sbarrier.arrive $0xFFFF  }
0xc1: {  	_ =	shalt  }

</sc_bundles>
